<compile_context>
chip_gen: v7x
topology: tpu7x:2x2x1
jax: 0.10.2.dev20260603
libtpu: 0.0.44.dev20260713+nightly
codegen_flags: <defaults>
</compile_context>

<pallas_src>
import functools

import jax
import jax.numpy as jnp
import numpy as np
from jax import lax
from jax.experimental import pallas as pl
from jax.experimental.pallas import tpu as pltpu
from jax.experimental.pallas import tpu_sc as plsc

_TABLE_SIZES = [100000] * 26
_NF = len(_TABLE_SIZES)
_OUT_DIM = 64
_BATCH = 16384
_B_FLAT = _BATCH * _NF
_NW = 32
_PER_W = _B_FLAT // _NW
_CHUNK = 128
_NCHUNK = _PER_W // _CHUNK
_NBUF = 8
_LAG = 4

assert _B_FLAT % _NW == 0 and _PER_W % _CHUNK == 0 and _PER_W % _NF == 0

_OFFSETS = np.cumsum([0] + _TABLE_SIZES[:-1]).astype(np.int32)
_OFF_TILE = np.tile(_OFFSETS, _PER_W // _NF).reshape(_NCHUNK, _CHUNK)

_mesh = plsc.VectorSubcoreMesh(core_axis_name="c", subcore_axis_name="s")


@functools.partial(
    pl.kernel,
    mesh=_mesh,
    out_type=jax.ShapeDtypeStruct((_B_FLAT, _OUT_DIM), jnp.float32),
    scratch_types=[
        pltpu.VMEM((_NCHUNK, _CHUNK), jnp.int32),
        pltpu.VMEM((_NCHUNK, _CHUNK), jnp.int32),
        pltpu.VMEM((_NBUF, _CHUNK, _OUT_DIM), jnp.float32),
    ]
    + [pltpu.SemaphoreType.DMA] * (2 * _NBUF),
    compiler_params=pltpu.CompilerParams(use_tc_tiling_on_sc=False),
)
def _sc_gather(idx_hbm, off_hbm, table_hbm, out_hbm, idx_v, off_v, rows_v,
               *sems):
    gsems, ssems = sems[:_NBUF], sems[_NBUF:]
    wid = lax.axis_index("s") * 2 + lax.axis_index("c")
    base = wid * _PER_W

    pltpu.sync_copy(idx_hbm.at[wid], idx_v)
    pltpu.sync_copy(off_hbm, off_v)

    def _shift(c, carry):
        for j in range(_CHUNK // 16):
            s = pl.ds(j * 16, 16)
            idx_v[c, s] = idx_v[c, s] + off_v[c, s]
        return carry

    lax.fori_loop(0, _NCHUNK, _shift, 0)

    def _g_start(c, b):
        pltpu.async_copy(table_hbm.at[idx_v.at[c]], rows_v.at[b], gsems[b])

    def _g_wait(c, b):
        pltpu.make_async_copy(table_hbm.at[idx_v.at[c]], rows_v.at[b],
                              gsems[b]).wait()

    def _s_start(c, b):
        pltpu.async_copy(
            rows_v.at[b], out_hbm.at[pl.ds(base + c * _CHUNK, _CHUNK)],
            ssems[b])

    def _s_wait(c, b):
        pltpu.make_async_copy(
            rows_v.at[b], out_hbm.at[pl.ds(base + c * _CHUNK, _CHUNK)],
            ssems[b]).wait()

    for b in range(_NBUF):
        _g_start(b, b)
    for b in range(_NBUF - _LAG):
        _g_wait(b, b)
        _s_start(b, b)

    def _group(g, carry):
        c0 = g * _NBUF
        for b in range(_NBUF):
            c = c0 + b
            _s_wait(c - _NBUF, b)
            _g_start(c, b)
            bl = (b - _LAG) % _NBUF
            _g_wait(c - _LAG, bl)
            _s_start(c - _LAG, bl)
        return carry

    lax.fori_loop(1, _NCHUNK // _NBUF, _group, 0)

    for i in range(_LAG):
        c = _NCHUNK - _LAG + i
        b = c % _NBUF
        _g_wait(c, b)
        _s_start(c, b)
    for i in range(_NBUF):
        c = _NCHUNK - _NBUF + i
        b = c % _NBUF
        _s_wait(c, b)


def kernel(indices, table):
    idx3 = indices.reshape(_NW, _NCHUNK, _CHUNK)
    off = jnp.asarray(_OFF_TILE)
    out = _sc_gather(idx3, off, table)
    return out.reshape(_BATCH, _NF, _OUT_DIM)

# --- scband reference (transcript-rebuilt; emitter-appended) ---
"""Pipeline reference for scband-fused-embedding-63350767616351 (READ-ONLY COPY).

The authoritative reference and input builder live on the scoring server;
editing this copy changes nothing except your own understanding.
"""

import jax, jax.numpy as jnp
import numpy as np

TABLE_SIZES = [100000] * 26
OUTPUT_DIM = 64
BATCH = 16384


def setup_inputs(seed: int = 0) -> dict:
    key = jax.random.key(seed)
    k_idx, k_tab = jax.random.split(key)
    indices = jax.random.randint(k_idx, (BATCH, len(TABLE_SIZES)), 0, 100000, dtype=jnp.int32)
    total_rows = int(np.sum(TABLE_SIZES))
    # FusedEmbeddingInitializer: per-subtable uniform(-1/sqrt(size), 1/sqrt(size)), concatenated.
    subtables = []
    k = k_tab
    for ts in TABLE_SIZES:
        k, sub = jax.random.split(k)
        maxval = 1.0 / np.sqrt(float(ts))
        subtables.append(jax.random.uniform(sub, (ts, OUTPUT_DIM), minval=-maxval, maxval=maxval, dtype=jnp.float32))
    table = jnp.concatenate(subtables, axis=0)
    assert table.shape[0] == total_rows
    return {"indices": indices, "table": table}


def reference(indices, table):
    # offsets = cumsum([0] + table_sizes); indices shifted by per-feature offset, then fused gather.
    offsets = jnp.asarray(np.cumsum(np.array([0] + TABLE_SIZES, dtype=np.int32)), dtype=jnp.int32)
    shifted = indices + offsets[:-1][None, :]
    out = jnp.take(table, shifted, axis=0)  # [BATCH, 26, OUTPUT_DIM]
    return out

if __name__ == "__main__":
    import jax
    _d = setup_inputs()
    print(jax.jit(kernel)(*tuple(_d.values())))

</pallas_src>

<mosaic_0001>
#map = affine_map<(d0, d1) -> (0, 0, 0)>
#map1 = affine_map<(d0, d1) -> (0, 0)>
module attributes {stable_mosaic.version = 14 : i64} {
  func.func @_sc_gather(%arg0: i32, %arg1: i32, %arg2: memref<32x104x128xi32, #tpu.memory_space<hbm>>, %arg3: memref<104x128xi32, #tpu.memory_space<hbm>>, %arg4: memref<2600000x64xf32, #tpu.memory_space<hbm>>, %arg5: memref<425984x64xf32, #tpu.memory_space<hbm>>, %arg6: memref<104x128xi32, #tpu.memory_space<vmem>>, %arg7: memref<104x128xi32, #tpu.memory_space<vmem>>, %arg8: memref<8x128x64xf32, #tpu.memory_space<vmem>>, %arg9: memref<!tpu.dma_semaphore, #tpu.memory_space<semaphore_mem>>, %arg10: memref<!tpu.dma_semaphore, #tpu.memory_space<semaphore_mem>>, %arg11: memref<!tpu.dma_semaphore, #tpu.memory_space<semaphore_mem>>, %arg12: memref<!tpu.dma_semaphore, #tpu.memory_space<semaphore_mem>>, %arg13: memref<!tpu.dma_semaphore, #tpu.memory_space<semaphore_mem>>, %arg14: memref<!tpu.dma_semaphore, #tpu.memory_space<semaphore_mem>>, %arg15: memref<!tpu.dma_semaphore, #tpu.memory_space<semaphore_mem>>, %arg16: memref<!tpu.dma_semaphore, #tpu.memory_space<semaphore_mem>>, %arg17: memref<!tpu.dma_semaphore, #tpu.memory_space<semaphore_mem>>, %arg18: memref<!tpu.dma_semaphore, #tpu.memory_space<semaphore_mem>>, %arg19: memref<!tpu.dma_semaphore, #tpu.memory_space<semaphore_mem>>, %arg20: memref<!tpu.dma_semaphore, #tpu.memory_space<semaphore_mem>>, %arg21: memref<!tpu.dma_semaphore, #tpu.memory_space<semaphore_mem>>, %arg22: memref<!tpu.dma_semaphore, #tpu.memory_space<semaphore_mem>>, %arg23: memref<!tpu.dma_semaphore, #tpu.memory_space<semaphore_mem>>, %arg24: memref<!tpu.dma_semaphore, #tpu.memory_space<semaphore_mem>>) attributes {dimension_semantics = [#tpu.dimension_semantics<core_parallel>, #tpu.dimension_semantics<subcore_parallel>], iteration_bounds = array<i64: 2, 16>, scalar_prefetch = 0 : i64, scratch_operands = 19 : i64, tpu.core_type = #tpu.core_type<sc_vector_subcore>, window_params = [{transform_indices = #map}, {transform_indices = #map1}, {transform_indices = #map1}, {transform_indices = #map1}]} {
    %mul3A = arith.constant 2 : i32
    %mul3A_0 = arith.muli %arg1, %mul3A : i32
    %add3A = arith.addi %mul3A_0, %arg0 : i32
    %mul3A_1 = arith.constant 13312 : i32
    %mul3A_2 = arith.muli %add3A, %mul3A_1 : i32
    "tpu.region"() ({
      %run_scoped3A = tpu.sem_alloc : memref<!tpu.dma_semaphore, #tpu.memory_space<semaphore_mem>>
      %dma_start3A_444 = arith.constant 0 : i32
      %dma_start3A_445 = arith.constant 0 : i32
      %dma_start3A_446 = tpu.memref_slice %arg2[%add3A, %dma_start3A_444, %dma_start3A_445] : memref<32x104x128xi32, #tpu.memory_space<hbm>> -> memref<1x104x128xi32, #tpu.memory_space<hbm>>
      %dma_start3A_447 = tpu.memref_squeeze %dma_start3A_446 : memref<1x104x128xi32, #tpu.memory_space<hbm>> -> memref<104x128xi32, #tpu.memory_space<hbm>>
      %dma_start3A_448 = arith.constant 0 : i32
      %dma_start3A_449 = arith.constant 0 : i32
      %dma_start3A_450 = tpu.memref_slice %arg2[%add3A, %dma_start3A_448, %dma_start3A_449] : memref<32x104x128xi32, #tpu.memory_space<hbm>> -> memref<1x104x128xi32, #tpu.memory_space<hbm>>
      %dma_start3A_451 = tpu.memref_squeeze %dma_start3A_450 : memref<1x104x128xi32, #tpu.memory_space<hbm>> -> memref<104x128xi32, #tpu.memory_space<hbm>>
      tpu.enqueue_dma source(%dma_start3A_451 : memref<104x128xi32, #tpu.memory_space<hbm>>) target(%arg6 : memref<104x128xi32, #tpu.memory_space<vmem>>) target_semaphore(%run_scoped3A : memref<!tpu.dma_semaphore, #tpu.memory_space<semaphore_mem>>)
      %dma_wait3A_452 = arith.constant 0 : i32
      %dma_wait3A_453 = arith.constant 0 : i32
      %dma_wait3A_454 = tpu.memref_slice %arg2[%add3A, %dma_wait3A_452, %dma_wait3A_453] : memref<32x104x128xi32, #tpu.memory_space<hbm>> -> memref<1x104x128xi32, #tpu.memory_space<hbm>>
      %dma_wait3A_455 = tpu.memref_squeeze %dma_wait3A_454 : memref<1x104x128xi32, #tpu.memory_space<hbm>> -> memref<104x128xi32, #tpu.memory_space<hbm>>
      %dma_wait3A_456 = arith.constant 0 : i32
      %dma_wait3A_457 = arith.constant 0 : i32
      %dma_wait3A_458 = tpu.memref_slice %arg2[%add3A, %dma_wait3A_456, %dma_wait3A_457] : memref<32x104x128xi32, #tpu.memory_space<hbm>> -> memref<1x104x128xi32, #tpu.memory_space<hbm>>
      %dma_wait3A_459 = tpu.memref_squeeze %dma_wait3A_458 : memref<1x104x128xi32, #tpu.memory_space<hbm>> -> memref<104x128xi32, #tpu.memory_space<hbm>>
      tpu.wait_dma2 semaphore(%run_scoped3A : memref<!tpu.dma_semaphore, #tpu.memory_space<semaphore_mem>>) src(%dma_wait3A_459 : memref<104x128xi32, #tpu.memory_space<hbm>>) dst(%arg6 : memref<104x128xi32, #tpu.memory_space<vmem>>)
      tpu.yield
    }) : () -> ()
    "tpu.region"() ({
      %run_scoped3A = tpu.sem_alloc : memref<!tpu.dma_semaphore, #tpu.memory_space<semaphore_mem>>
      tpu.enqueue_dma source(%arg3 : memref<104x128xi32, #tpu.memory_space<hbm>>) target(%arg7 : memref<104x128xi32, #tpu.memory_space<vmem>>) target_semaphore(%run_scoped3A : memref<!tpu.dma_semaphore, #tpu.memory_space<semaphore_mem>>)
      tpu.wait_dma2 semaphore(%run_scoped3A : memref<!tpu.dma_semaphore, #tpu.memory_space<semaphore_mem>>) src(%arg3 : memref<104x128xi32, #tpu.memory_space<hbm>>) dst(%arg7 : memref<104x128xi32, #tpu.memory_space<vmem>>)
      tpu.yield
    }) : () -> ()
    %scan3A = arith.constant 0 : i32
    %scan3A_3 = arith.constant 0 : i32
    %scan3A_4 = arith.constant 104 : i32
    %scan3A_5 = arith.addi %scan3A_3, %scan3A_4 : i32
    %scan3A_6 = arith.constant 1 : i32
    scf.for %scan3A_444 = %scan3A_3 to %scan3A_5 step %scan3A_6  : i32 {
      %get3A = arith.index_cast %scan3A_444 : i32 to index
      %get3A_445 = arith.constant 0 : index
      %get3A_446 = tpu.vector_load %arg6[%get3A, %get3A_445] {strides = array<i32>} : memref<104x128xi32, #tpu.memory_space<vmem>>, vector<1x16xi32>,
      %get3A_447 = vector.shape_cast %get3A_446 : vector<1x16xi32> to vector<16xi32>
      %get3A_448 = arith.index_cast %scan3A_444 : i32 to index
      %get3A_449 = arith.constant 0 : index
      %get3A_450 = tpu.vector_load %arg7[%get3A_448, %get3A_449] {strides = array<i32>} : memref<104x128xi32, #tpu.memory_space<vmem>>, vector<1x16xi32>,
      %get3A_451 = vector.shape_cast %get3A_450 : vector<1x16xi32> to vector<16xi32>
      %add3A_452 = arith.addi %get3A_447, %get3A_451 : vector<16xi32>
      %swap3A = arith.index_cast %scan3A_444 : i32 to index
      %swap3A_453 = arith.constant 0 : index
      %swap3A_454 = tpu.vector_load %arg6[%swap3A, %swap3A_453] {strides = array<i32>} : memref<104x128xi32, #tpu.memory_space<vmem>>, vector<1x16xi32>,
      %swap3A_455 = vector.shape_cast %swap3A_454 : vector<1x16xi32> to vector<16xi32>
      %swap3A_456 = vector.shape_cast %add3A_452 : vector<16xi32> to vector<1x16xi32>
      tpu.vector_store %arg6[%swap3A, %swap3A_453], %swap3A_456 {strides = array<i32>} : memref<104x128xi32, #tpu.memory_space<vmem>>, vector<1x16xi32>,
      %get3A_457 = arith.index_cast %scan3A_444 : i32 to index
      %get3A_458 = arith.constant 16 : index
      %get3A_459 = tpu.vector_load %arg6[%get3A_457, %get3A_458] {strides = array<i32>} : memref<104x128xi32, #tpu.memory_space<vmem>>, vector<1x16xi32>,
      %get3A_460 = vector.shape_cast %get3A_459 : vector<1x16xi32> to vector<16xi32>
      %get3A_461 = arith.index_cast %scan3A_444 : i32 to index
      %get3A_462 = arith.constant 16 : index
      %get3A_463 = tpu.vector_load %arg7[%get3A_461, %get3A_462] {strides = array<i32>} : memref<104x128xi32, #tpu.memory_space<vmem>>, vector<1x16xi32>,
      %get3A_464 = vector.shape_cast %get3A_463 : vector<1x16xi32> to vector<16xi32>
      %add3A_465 = arith.addi %get3A_460, %get3A_464 : vector<16xi32>
      %swap3A_466 = arith.index_cast %scan3A_444 : i32 to index
      %swap3A_467 = arith.constant 16 : index
      %swap3A_468 = tpu.vector_load %arg6[%swap3A_466, %swap3A_467] {strides = array<i32>} : memref<104x128xi32, #tpu.memory_space<vmem>>, vector<1x16xi32>,
      %swap3A_469 = vector.shape_cast %swap3A_468 : vector<1x16xi32> to vector<16xi32>
      %swap3A_470 = vector.shape_cast %add3A_465 : vector<16xi32> to vector<1x16xi32>
      tpu.vector_store %arg6[%swap3A_466, %swap3A_467], %swap3A_470 {strides = array<i32>} : memref<104x128xi32, #tpu.memory_space<vmem>>, vector<1x16xi32>,
      %get3A_471 = arith.index_cast %scan3A_444 : i32 to index
      %get3A_472 = arith.constant 32 : index
      %get3A_473 = tpu.vector_load %arg6[%get3A_471, %get3A_472] {strides = array<i32>} : memref<104x128xi32, #tpu.memory_space<vmem>>, vector<1x16xi32>,
      %get3A_474 = vector.shape_cast %get3A_473 : vector<1x16xi32> to vector<16xi32>
      %get3A_475 = arith.index_cast %scan3A_444 : i32 to index
      %get3A_476 = arith.constant 32 : index
      %get3A_477 = tpu.vector_load %arg7[%get3A_475, %get3A_476] {strides = array<i32>} : memref<104x128xi32, #tpu.memory_space<vmem>>, vector<1x16xi32>,
      %get3A_478 = vector.shape_cast %get3A_477 : vector<1x16xi32> to vector<16xi32>
      %add3A_479 = arith.addi %get3A_474, %get3A_478 : vector<16xi32>
      %swap3A_480 = arith.index_cast %scan3A_444 : i32 to index
      %swap3A_481 = arith.constant 32 : index
      %swap3A_482 = tpu.vector_load %arg6[%swap3A_480, %swap3A_481] {strides = array<i32>} : memref<104x128xi32, #tpu.memory_space<vmem>>, vector<1x16xi32>,
      %swap3A_483 = vector.shape_cast %swap3A_482 : vector<1x16xi32> to vector<16xi32>
      %swap3A_484 = vector.shape_cast %add3A_479 : vector<16xi32> to vector<1x16xi32>
      tpu.vector_store %arg6[%swap3A_480, %swap3A_481], %swap3A_484 {strides = array<i32>} : memref<104x128xi32, #tpu.memory_space<vmem>>, vector<1x16xi32>,
      %get3A_485 = arith.index_cast %scan3A_444 : i32 to index
      %get3A_486 = arith.constant 48 : index
      %get3A_487 = tpu.vector_load %arg6[%get3A_485, %get3A_486] {strides = array<i32>} : memref<104x128xi32, #tpu.memory_space<vmem>>, vector<1x16xi32>,
      %get3A_488 = vector.shape_cast %get3A_487 : vector<1x16xi32> to vector<16xi32>
      %get3A_489 = arith.index_cast %scan3A_444 : i32 to index
      %get3A_490 = arith.constant 48 : index
      %get3A_491 = tpu.vector_load %arg7[%get3A_489, %get3A_490] {strides = array<i32>} : memref<104x128xi32, #tpu.memory_space<vmem>>, vector<1x16xi32>,
      %get3A_492 = vector.shape_cast %get3A_491 : vector<1x16xi32> to vector<16xi32>
      %add3A_493 = arith.addi %get3A_488, %get3A_492 : vector<16xi32>
      %swap3A_494 = arith.index_cast %scan3A_444 : i32 to index
      %swap3A_495 = arith.constant 48 : index
      %swap3A_496 = tpu.vector_load %arg6[%swap3A_494, %swap3A_495] {strides = array<i32>} : memref<104x128xi32, #tpu.memory_space<vmem>>, vector<1x16xi32>,
      %swap3A_497 = vector.shape_cast %swap3A_496 : vector<1x16xi32> to vector<16xi32>
      %swap3A_498 = vector.shape_cast %add3A_493 : vector<16xi32> to vector<1x16xi32>
      tpu.vector_store %arg6[%swap3A_494, %swap3A_495], %swap3A_498 {strides = array<i32>} : memref<104x128xi32, #tpu.memory_space<vmem>>, vector<1x16xi32>,
      %get3A_499 = arith.index_cast %scan3A_444 : i32 to index
      %get3A_500 = arith.constant 64 : index
      %get3A_501 = tpu.vector_load %arg6[%get3A_499, %get3A_500] {strides = array<i32>} : memref<104x128xi32, #tpu.memory_space<vmem>>, vector<1x16xi32>,
      %get3A_502 = vector.shape_cast %get3A_501 : vector<1x16xi32> to vector<16xi32>
      %get3A_503 = arith.index_cast %scan3A_444 : i32 to index
      %get3A_504 = arith.constant 64 : index
      %get3A_505 = tpu.vector_load %arg7[%get3A_503, %get3A_504] {strides = array<i32>} : memref<104x128xi32, #tpu.memory_space<vmem>>, vector<1x16xi32>,
      %get3A_506 = vector.shape_cast %get3A_505 : vector<1x16xi32> to vector<16xi32>
      %add3A_507 = arith.addi %get3A_502, %get3A_506 : vector<16xi32>
      %swap3A_508 = arith.index_cast %scan3A_444 : i32 to index
      %swap3A_509 = arith.constant 64 : index
      %swap3A_510 = tpu.vector_load %arg6[%swap3A_508, %swap3A_509] {strides = array<i32>} : memref<104x128xi32, #tpu.memory_space<vmem>>, vector<1x16xi32>,
      %swap3A_511 = vector.shape_cast %swap3A_510 : vector<1x16xi32> to vector<16xi32>
      %swap3A_512 = vector.shape_cast %add3A_507 : vector<16xi32> to vector<1x16xi32>
      tpu.vector_store %arg6[%swap3A_508, %swap3A_509], %swap3A_512 {strides = array<i32>} : memref<104x128xi32, #tpu.memory_space<vmem>>, vector<1x16xi32>,
      %get3A_513 = arith.index_cast %scan3A_444 : i32 to index
      %get3A_514 = arith.constant 80 : index
      %get3A_515 = tpu.vector_load %arg6[%get3A_513, %get3A_514] {strides = array<i32>} : memref<104x128xi32, #tpu.memory_space<vmem>>, vector<1x16xi32>,
      %get3A_516 = vector.shape_cast %get3A_515 : vector<1x16xi32> to vector<16xi32>
      %get3A_517 = arith.index_cast %scan3A_444 : i32 to index
      %get3A_518 = arith.constant 80 : index
      %get3A_519 = tpu.vector_load %arg7[%get3A_517, %get3A_518] {strides = array<i32>} : memref<104x128xi32, #tpu.memory_space<vmem>>, vector<1x16xi32>,
      %get3A_520 = vector.shape_cast %get3A_519 : vector<1x16xi32> to vector<16xi32>
      %add3A_521 = arith.addi %get3A_516, %get3A_520 : vector<16xi32>
      %swap3A_522 = arith.index_cast %scan3A_444 : i32 to index
      %swap3A_523 = arith.constant 80 : index
      %swap3A_524 = tpu.vector_load %arg6[%swap3A_522, %swap3A_523] {strides = array<i32>} : memref<104x128xi32, #tpu.memory_space<vmem>>, vector<1x16xi32>,
      %swap3A_525 = vector.shape_cast %swap3A_524 : vector<1x16xi32> to vector<16xi32>
      %swap3A_526 = vector.shape_cast %add3A_521 : vector<16xi32> to vector<1x16xi32>
      tpu.vector_store %arg6[%swap3A_522, %swap3A_523], %swap3A_526 {strides = array<i32>} : memref<104x128xi32, #tpu.memory_space<vmem>>, vector<1x16xi32>,
      %get3A_527 = arith.index_cast %scan3A_444 : i32 to index
      %get3A_528 = arith.constant 96 : index
      %get3A_529 = tpu.vector_load %arg6[%get3A_527, %get3A_528] {strides = array<i32>} : memref<104x128xi32, #tpu.memory_space<vmem>>, vector<1x16xi32>,
      %get3A_530 = vector.shape_cast %get3A_529 : vector<1x16xi32> to vector<16xi32>
      %get3A_531 = arith.index_cast %scan3A_444 : i32 to index
      %get3A_532 = arith.constant 96 : index
      %get3A_533 = tpu.vector_load %arg7[%get3A_531, %get3A_532] {strides = array<i32>} : memref<104x128xi32, #tpu.memory_space<vmem>>, vector<1x16xi32>,
      %get3A_534 = vector.shape_cast %get3A_533 : vector<1x16xi32> to vector<16xi32>
      %add3A_535 = arith.addi %get3A_530, %get3A_534 : vector<16xi32>
      %swap3A_536 = arith.index_cast %scan3A_444 : i32 to index
      %swap3A_537 = arith.constant 96 : index
      %swap3A_538 = tpu.vector_load %arg6[%swap3A_536, %swap3A_537] {strides = array<i32>} : memref<104x128xi32, #tpu.memory_space<vmem>>, vector<1x16xi32>,
      %swap3A_539 = vector.shape_cast %swap3A_538 : vector<1x16xi32> to vector<16xi32>
      %swap3A_540 = vector.shape_cast %add3A_535 : vector<16xi32> to vector<1x16xi32>
      tpu.vector_store %arg6[%swap3A_536, %swap3A_537], %swap3A_540 {strides = array<i32>} : memref<104x128xi32, #tpu.memory_space<vmem>>, vector<1x16xi32>,
      %get3A_541 = arith.index_cast %scan3A_444 : i32 to index
      %get3A_542 = arith.constant 112 : index
      %get3A_543 = tpu.vector_load %arg6[%get3A_541, %get3A_542] {strides = array<i32>} : memref<104x128xi32, #tpu.memory_space<vmem>>, vector<1x16xi32>,
      %get3A_544 = vector.shape_cast %get3A_543 : vector<1x16xi32> to vector<16xi32>
      %get3A_545 = arith.index_cast %scan3A_444 : i32 to index
      %get3A_546 = arith.constant 112 : index
      %get3A_547 = tpu.vector_load %arg7[%get3A_545, %get3A_546] {strides = array<i32>} : memref<104x128xi32, #tpu.memory_space<vmem>>, vector<1x16xi32>,
      %get3A_548 = vector.shape_cast %get3A_547 : vector<1x16xi32> to vector<16xi32>
      %add3A_549 = arith.addi %get3A_544, %get3A_548 : vector<16xi32>
      %swap3A_550 = arith.index_cast %scan3A_444 : i32 to index
      %swap3A_551 = arith.constant 112 : index
      %swap3A_552 = tpu.vector_load %arg6[%swap3A_550, %swap3A_551] {strides = array<i32>} : memref<104x128xi32, #tpu.memory_space<vmem>>, vector<1x16xi32>,
      %swap3A_553 = vector.shape_cast %swap3A_552 : vector<1x16xi32> to vector<16xi32>
      %swap3A_554 = vector.shape_cast %add3A_549 : vector<16xi32> to vector<1x16xi32>
      tpu.vector_store %arg6[%swap3A_550, %swap3A_551], %swap3A_554 {strides = array<i32>} : memref<104x128xi32, #tpu.memory_space<vmem>>, vector<1x16xi32>,
    }
    %scan3A_7 = arith.constant 104 : i32
    %dma_start3A = arith.constant 0 : i32
    %dma_start3A_8 = arith.constant 0 : i32
    %dma_start3A_9 = arith.constant 0 : i32
    %dma_start3A_10 = arith.constant 0 : i32
    %dma_start3A_11 = tpu.memref_slice %arg8[%dma_start3A_8, %dma_start3A_9, %dma_start3A_10] : memref<8x128x64xf32, #tpu.memory_space<vmem>> -> memref<1x128x64xf32, #tpu.memory_space<vmem>>
    %dma_start3A_12 = tpu.memref_squeeze %dma_start3A_11 : memref<1x128x64xf32, #tpu.memory_space<vmem>> -> memref<128x64xf32, #tpu.memory_space<vmem>>
    %dma_start3A_13 = arith.constant 0 : i32
    %dma_start3A_14 = tpu.memref_slice %arg6[%dma_start3A, %dma_start3A_13] : memref<104x128xi32, #tpu.memory_space<vmem>> -> memref<1x128xi32, #tpu.memory_space<vmem>>
    %dma_start3A_15 = tpu.memref_squeeze %dma_start3A_14 : memref<1x128xi32, #tpu.memory_space<vmem>> -> memref<128xi32, #tpu.memory_space<vmem>>
    %dma_start3A_16 = arith.constant 0 : i32
    %dma_start3A_17 = arith.constant 0 : i32
    %dma_start3A_18 = tpu.memref_slice %arg4[%dma_start3A_16, %dma_start3A_17] : memref<2600000x64xf32, #tpu.memory_space<hbm>> -> memref<2600000x64xf32, #tpu.memory_space<hbm>>
    tpu.enqueue_indirect_dma source(%dma_start3A_18 : memref<2600000x64xf32, #tpu.memory_space<hbm>>) target(%dma_start3A_12 : memref<128x64xf32, #tpu.memory_space<vmem>>) offsets(%dma_start3A_15 : memref<128xi32, #tpu.memory_space<vmem>>) semaphore(%arg9 : memref<!tpu.dma_semaphore, #tpu.memory_space<semaphore_mem>>)
    %dma_start3A_19 = arith.constant 1 : i32
    %dma_start3A_20 = arith.constant 1 : i32
    %dma_start3A_21 = arith.constant 0 : i32
    %dma_start3A_22 = arith.constant 0 : i32
    %dma_start3A_23 = tpu.memref_slice %arg8[%dma_start3A_20, %dma_start3A_21, %dma_start3A_22] : memref<8x128x64xf32, #tpu.memory_space<vmem>> -> memref<1x128x64xf32, #tpu.memory_space<vmem>>
    %dma_start3A_24 = tpu.memref_squeeze %dma_start3A_23 : memref<1x128x64xf32, #tpu.memory_space<vmem>> -> memref<128x64xf32, #tpu.memory_space<vmem>>
    %dma_start3A_25 = arith.constant 0 : i32
    %dma_start3A_26 = tpu.memref_slice %arg6[%dma_start3A_19, %dma_start3A_25] : memref<104x128xi32, #tpu.memory_space<vmem>> -> memref<1x128xi32, #tpu.memory_space<vmem>>
    %dma_start3A_27 = tpu.memref_squeeze %dma_start3A_26 : memref<1x128xi32, #tpu.memory_space<vmem>> -> memref<128xi32, #tpu.memory_space<vmem>>
    %dma_start3A_28 = arith.constant 0 : i32
    %dma_start3A_29 = arith.constant 0 : i32
    %dma_start3A_30 = tpu.memref_slice %arg4[%dma_start3A_28, %dma_start3A_29] : memref<2600000x64xf32, #tpu.memory_space<hbm>> -> memref<2600000x64xf32, #tpu.memory_space<hbm>>
    tpu.enqueue_indirect_dma source(%dma_start3A_30 : memref<2600000x64xf32, #tpu.memory_space<hbm>>) target(%dma_start3A_24 : memref<128x64xf32, #tpu.memory_space<vmem>>) offsets(%dma_start3A_27 : memref<128xi32, #tpu.memory_space<vmem>>) semaphore(%arg10 : memref<!tpu.dma_semaphore, #tpu.memory_space<semaphore_mem>>)
    %dma_start3A_31 = arith.constant 2 : i32
    %dma_start3A_32 = arith.constant 2 : i32
    %dma_start3A_33 = arith.constant 0 : i32
    %dma_start3A_34 = arith.constant 0 : i32
    %dma_start3A_35 = tpu.memref_slice %arg8[%dma_start3A_32, %dma_start3A_33, %dma_start3A_34] : memref<8x128x64xf32, #tpu.memory_space<vmem>> -> memref<1x128x64xf32, #tpu.memory_space<vmem>>
    %dma_start3A_36 = tpu.memref_squeeze %dma_start3A_35 : memref<1x128x64xf32, #tpu.memory_space<vmem>> -> memref<128x64xf32, #tpu.memory_space<vmem>>
    %dma_start3A_37 = arith.constant 0 : i32
    %dma_start3A_38 = tpu.memref_slice %arg6[%dma_start3A_31, %dma_start3A_37] : memref<104x128xi32, #tpu.memory_space<vmem>> -> memref<1x128xi32, #tpu.memory_space<vmem>>
    %dma_start3A_39 = tpu.memref_squeeze %dma_start3A_38 : memref<1x128xi32, #tpu.memory_space<vmem>> -> memref<128xi32, #tpu.memory_space<vmem>>
    %dma_start3A_40 = arith.constant 0 : i32
    %dma_start3A_41 = arith.constant 0 : i32
    %dma_start3A_42 = tpu.memref_slice %arg4[%dma_start3A_40, %dma_start3A_41] : memref<2600000x64xf32, #tpu.memory_space<hbm>> -> memref<2600000x64xf32, #tpu.memory_space<hbm>>
    tpu.enqueue_indirect_dma source(%dma_start3A_42 : memref<2600000x64xf32, #tpu.memory_space<hbm>>) target(%dma_start3A_36 : memref<128x64xf32, #tpu.memory_space<vmem>>) offsets(%dma_start3A_39 : memref<128xi32, #tpu.memory_space<vmem>>) semaphore(%arg11 : memref<!tpu.dma_semaphore, #tpu.memory_space<semaphore_mem>>)
    %dma_start3A_43 = arith.constant 3 : i32
    %dma_start3A_44 = arith.constant 3 : i32
    %dma_start3A_45 = arith.constant 0 : i32
    %dma_start3A_46 = arith.constant 0 : i32
    %dma_start3A_47 = tpu.memref_slice %arg8[%dma_start3A_44, %dma_start3A_45, %dma_start3A_46] : memref<8x128x64xf32, #tpu.memory_space<vmem>> -> memref<1x128x64xf32, #tpu.memory_space<vmem>>
    %dma_start3A_48 = tpu.memref_squeeze %dma_start3A_47 : memref<1x128x64xf32, #tpu.memory_space<vmem>> -> memref<128x64xf32, #tpu.memory_space<vmem>>
    %dma_start3A_49 = arith.constant 0 : i32
    %dma_start3A_50 = tpu.memref_slice %arg6[%dma_start3A_43, %dma_start3A_49] : memref<104x128xi32, #tpu.memory_space<vmem>> -> memref<1x128xi32, #tpu.memory_space<vmem>>
    %dma_start3A_51 = tpu.memref_squeeze %dma_start3A_50 : memref<1x128xi32, #tpu.memory_space<vmem>> -> memref<128xi32, #tpu.memory_space<vmem>>
    %dma_start3A_52 = arith.constant 0 : i32
    %dma_start3A_53 = arith.constant 0 : i32
    %dma_start3A_54 = tpu.memref_slice %arg4[%dma_start3A_52, %dma_start3A_53] : memref<2600000x64xf32, #tpu.memory_space<hbm>> -> memref<2600000x64xf32, #tpu.memory_space<hbm>>
    tpu.enqueue_indirect_dma source(%dma_start3A_54 : memref<2600000x64xf32, #tpu.memory_space<hbm>>) target(%dma_start3A_48 : memref<128x64xf32, #tpu.memory_space<vmem>>) offsets(%dma_start3A_51 : memref<128xi32, #tpu.memory_space<vmem>>) semaphore(%arg12 : memref<!tpu.dma_semaphore, #tpu.memory_space<semaphore_mem>>)
    %dma_start3A_55 = arith.constant 4 : i32
    %dma_start3A_56 = arith.constant 4 : i32
    %dma_start3A_57 = arith.constant 0 : i32
    %dma_start3A_58 = arith.constant 0 : i32
    %dma_start3A_59 = tpu.memref_slice %arg8[%dma_start3A_56, %dma_start3A_57, %dma_start3A_58] : memref<8x128x64xf32, #tpu.memory_space<vmem>> -> memref<1x128x64xf32, #tpu.memory_space<vmem>>
    %dma_start3A_60 = tpu.memref_squeeze %dma_start3A_59 : memref<1x128x64xf32, #tpu.memory_space<vmem>> -> memref<128x64xf32, #tpu.memory_space<vmem>>
    %dma_start3A_61 = arith.constant 0 : i32
    %dma_start3A_62 = tpu.memref_slice %arg6[%dma_start3A_55, %dma_start3A_61] : memref<104x128xi32, #tpu.memory_space<vmem>> -> memref<1x128xi32, #tpu.memory_space<vmem>>
    %dma_start3A_63 = tpu.memref_squeeze %dma_start3A_62 : memref<1x128xi32, #tpu.memory_space<vmem>> -> memref<128xi32, #tpu.memory_space<vmem>>
    %dma_start3A_64 = arith.constant 0 : i32
    %dma_start3A_65 = arith.constant 0 : i32
    %dma_start3A_66 = tpu.memref_slice %arg4[%dma_start3A_64, %dma_start3A_65] : memref<2600000x64xf32, #tpu.memory_space<hbm>> -> memref<2600000x64xf32, #tpu.memory_space<hbm>>
    tpu.enqueue_indirect_dma source(%dma_start3A_66 : memref<2600000x64xf32, #tpu.memory_space<hbm>>) target(%dma_start3A_60 : memref<128x64xf32, #tpu.memory_space<vmem>>) offsets(%dma_start3A_63 : memref<128xi32, #tpu.memory_space<vmem>>) semaphore(%arg13 : memref<!tpu.dma_semaphore, #tpu.memory_space<semaphore_mem>>)
    %dma_start3A_67 = arith.constant 5 : i32
    %dma_start3A_68 = arith.constant 5 : i32
    %dma_start3A_69 = arith.constant 0 : i32
    %dma_start3A_70 = arith.constant 0 : i32
    %dma_start3A_71 = tpu.memref_slice %arg8[%dma_start3A_68, %dma_start3A_69, %dma_start3A_70] : memref<8x128x64xf32, #tpu.memory_space<vmem>> -> memref<1x128x64xf32, #tpu.memory_space<vmem>>
    %dma_start3A_72 = tpu.memref_squeeze %dma_start3A_71 : memref<1x128x64xf32, #tpu.memory_space<vmem>> -> memref<128x64xf32, #tpu.memory_space<vmem>>
    %dma_start3A_73 = arith.constant 0 : i32
    %dma_start3A_74 = tpu.memref_slice %arg6[%dma_start3A_67, %dma_start3A_73] : memref<104x128xi32, #tpu.memory_space<vmem>> -> memref<1x128xi32, #tpu.memory_space<vmem>>
    %dma_start3A_75 = tpu.memref_squeeze %dma_start3A_74 : memref<1x128xi32, #tpu.memory_space<vmem>> -> memref<128xi32, #tpu.memory_space<vmem>>
    %dma_start3A_76 = arith.constant 0 : i32
    %dma_start3A_77 = arith.constant 0 : i32
    %dma_start3A_78 = tpu.memref_slice %arg4[%dma_start3A_76, %dma_start3A_77] : memref<2600000x64xf32, #tpu.memory_space<hbm>> -> memref<2600000x64xf32, #tpu.memory_space<hbm>>
    tpu.enqueue_indirect_dma source(%dma_start3A_78 : memref<2600000x64xf32, #tpu.memory_space<hbm>>) target(%dma_start3A_72 : memref<128x64xf32, #tpu.memory_space<vmem>>) offsets(%dma_start3A_75 : memref<128xi32, #tpu.memory_space<vmem>>) semaphore(%arg14 : memref<!tpu.dma_semaphore, #tpu.memory_space<semaphore_mem>>)
    %dma_start3A_79 = arith.constant 6 : i32
    %dma_start3A_80 = arith.constant 6 : i32
    %dma_start3A_81 = arith.constant 0 : i32
    %dma_start3A_82 = arith.constant 0 : i32
    %dma_start3A_83 = tpu.memref_slice %arg8[%dma_start3A_80, %dma_start3A_81, %dma_start3A_82] : memref<8x128x64xf32, #tpu.memory_space<vmem>> -> memref<1x128x64xf32, #tpu.memory_space<vmem>>
    %dma_start3A_84 = tpu.memref_squeeze %dma_start3A_83 : memref<1x128x64xf32, #tpu.memory_space<vmem>> -> memref<128x64xf32, #tpu.memory_space<vmem>>
    %dma_start3A_85 = arith.constant 0 : i32
    %dma_start3A_86 = tpu.memref_slice %arg6[%dma_start3A_79, %dma_start3A_85] : memref<104x128xi32, #tpu.memory_space<vmem>> -> memref<1x128xi32, #tpu.memory_space<vmem>>
    %dma_start3A_87 = tpu.memref_squeeze %dma_start3A_86 : memref<1x128xi32, #tpu.memory_space<vmem>> -> memref<128xi32, #tpu.memory_space<vmem>>
    %dma_start3A_88 = arith.constant 0 : i32
    %dma_start3A_89 = arith.constant 0 : i32
    %dma_start3A_90 = tpu.memref_slice %arg4[%dma_start3A_88, %dma_start3A_89] : memref<2600000x64xf32, #tpu.memory_space<hbm>> -> memref<2600000x64xf32, #tpu.memory_space<hbm>>
    tpu.enqueue_indirect_dma source(%dma_start3A_90 : memref<2600000x64xf32, #tpu.memory_space<hbm>>) target(%dma_start3A_84 : memref<128x64xf32, #tpu.memory_space<vmem>>) offsets(%dma_start3A_87 : memref<128xi32, #tpu.memory_space<vmem>>) semaphore(%arg15 : memref<!tpu.dma_semaphore, #tpu.memory_space<semaphore_mem>>)
    %dma_start3A_91 = arith.constant 7 : i32
    %dma_start3A_92 = arith.constant 7 : i32
    %dma_start3A_93 = arith.constant 0 : i32
    %dma_start3A_94 = arith.constant 0 : i32
    %dma_start3A_95 = tpu.memref_slice %arg8[%dma_start3A_92, %dma_start3A_93, %dma_start3A_94] : memref<8x128x64xf32, #tpu.memory_space<vmem>> -> memref<1x128x64xf32, #tpu.memory_space<vmem>>
    %dma_start3A_96 = tpu.memref_squeeze %dma_start3A_95 : memref<1x128x64xf32, #tpu.memory_space<vmem>> -> memref<128x64xf32, #tpu.memory_space<vmem>>
    %dma_start3A_97 = arith.constant 0 : i32
    %dma_start3A_98 = tpu.memref_slice %arg6[%dma_start3A_91, %dma_start3A_97] : memref<104x128xi32, #tpu.memory_space<vmem>> -> memref<1x128xi32, #tpu.memory_space<vmem>>
    %dma_start3A_99 = tpu.memref_squeeze %dma_start3A_98 : memref<1x128xi32, #tpu.memory_space<vmem>> -> memref<128xi32, #tpu.memory_space<vmem>>
    %dma_start3A_100 = arith.constant 0 : i32
    %dma_start3A_101 = arith.constant 0 : i32
    %dma_start3A_102 = tpu.memref_slice %arg4[%dma_start3A_100, %dma_start3A_101] : memref<2600000x64xf32, #tpu.memory_space<hbm>> -> memref<2600000x64xf32, #tpu.memory_space<hbm>>
    tpu.enqueue_indirect_dma source(%dma_start3A_102 : memref<2600000x64xf32, #tpu.memory_space<hbm>>) target(%dma_start3A_96 : memref<128x64xf32, #tpu.memory_space<vmem>>) offsets(%dma_start3A_99 : memref<128xi32, #tpu.memory_space<vmem>>) semaphore(%arg16 : memref<!tpu.dma_semaphore, #tpu.memory_space<semaphore_mem>>)
    %dma_wait3A = arith.constant 0 : i32
    %dma_wait3A_103 = arith.constant 0 : i32
    %dma_wait3A_104 = arith.constant 0 : i32
    %dma_wait3A_105 = arith.constant 0 : i32
    %dma_wait3A_106 = tpu.memref_slice %arg8[%dma_wait3A_103, %dma_wait3A_104, %dma_wait3A_105] : memref<8x128x64xf32, #tpu.memory_space<vmem>> -> memref<1x128x64xf32, #tpu.memory_space<vmem>>
    %dma_wait3A_107 = tpu.memref_squeeze %dma_wait3A_106 : memref<1x128x64xf32, #tpu.memory_space<vmem>> -> memref<128x64xf32, #tpu.memory_space<vmem>>
    %dma_wait3A_108 = arith.constant 0 : i32
    %dma_wait3A_109 = tpu.memref_slice %arg6[%dma_wait3A, %dma_wait3A_108] : memref<104x128xi32, #tpu.memory_space<vmem>> -> memref<1x128xi32, #tpu.memory_space<vmem>>
    %dma_wait3A_110 = tpu.memref_squeeze %dma_wait3A_109 : memref<1x128xi32, #tpu.memory_space<vmem>> -> memref<128xi32, #tpu.memory_space<vmem>>
    %dma_wait3A_111 = arith.constant 0 : i32
    %dma_wait3A_112 = arith.constant 0 : i32
    %dma_wait3A_113 = tpu.memref_slice %arg4[%dma_wait3A_111, %dma_wait3A_112] : memref<2600000x64xf32, #tpu.memory_space<hbm>> -> memref<2600000x64xf32, #tpu.memory_space<hbm>>
    tpu.wait_indirect_dma semaphore(%arg9 : memref<!tpu.dma_semaphore, #tpu.memory_space<semaphore_mem>>) src(%dma_wait3A_113 : memref<2600000x64xf32, #tpu.memory_space<hbm>>) dst(%dma_wait3A_107 : memref<128x64xf32, #tpu.memory_space<vmem>>)
    %add3A_114 = arith.constant 0 : i32
    %add3A_115 = arith.addi %mul3A_2, %add3A_114 : i32
    %dma_start3A_116 = arith.constant 0 : i32
    %dma_start3A_117 = arith.constant 0 : i32
    %dma_start3A_118 = arith.constant 0 : i32
    %dma_start3A_119 = tpu.memref_slice %arg8[%dma_start3A_116, %dma_start3A_117, %dma_start3A_118] : memref<8x128x64xf32, #tpu.memory_space<vmem>> -> memref<1x128x64xf32, #tpu.memory_space<vmem>>
    %dma_start3A_120 = tpu.memref_squeeze %dma_start3A_119 : memref<1x128x64xf32, #tpu.memory_space<vmem>> -> memref<128x64xf32, #tpu.memory_space<vmem>>
    %dma_start3A_121 = arith.constant 0 : i32
    %dma_start3A_122 = tpu.memref_slice %arg5[%add3A_115, %dma_start3A_121] : memref<425984x64xf32, #tpu.memory_space<hbm>> -> memref<128x64xf32, #tpu.memory_space<hbm>>
    %dma_start3A_123 = arith.constant 0 : i32
    %dma_start3A_124 = tpu.memref_slice %arg5[%add3A_115, %dma_start3A_123] : memref<425984x64xf32, #tpu.memory_space<hbm>> -> memref<128x64xf32, #tpu.memory_space<hbm>>
    %dma_start3A_125 = arith.constant 0 : i32
    %dma_start3A_126 = arith.constant 0 : i32
    %dma_start3A_127 = tpu.memref_slice %arg8[%dma_start3A_116, %dma_start3A_125, %dma_start3A_126] : memref<8x128x64xf32, #tpu.memory_space<vmem>> -> memref<1x128x64xf32, #tpu.memory_space<vmem>>
    %dma_start3A_128 = tpu.memref_squeeze %dma_start3A_127 : memref<1x128x64xf32, #tpu.memory_space<vmem>> -> memref<128x64xf32, #tpu.memory_space<vmem>>
    tpu.enqueue_dma source(%dma_start3A_128 : memref<128x64xf32, #tpu.memory_space<vmem>>) target(%dma_start3A_124 : memref<128x64xf32, #tpu.memory_space<hbm>>) target_semaphore(%arg17 : memref<!tpu.dma_semaphore, #tpu.memory_space<semaphore_mem>>)
    %dma_wait3A_129 = arith.constant 1 : i32
    %dma_wait3A_130 = arith.constant 1 : i32
    %dma_wait3A_131 = arith.constant 0 : i32
    %dma_wait3A_132 = arith.constant 0 : i32
    %dma_wait3A_133 = tpu.memref_slice %arg8[%dma_wait3A_130, %dma_wait3A_131, %dma_wait3A_132] : memref<8x128x64xf32, #tpu.memory_space<vmem>> -> memref<1x128x64xf32, #tpu.memory_space<vmem>>
    %dma_wait3A_134 = tpu.memref_squeeze %dma_wait3A_133 : memref<1x128x64xf32, #tpu.memory_space<vmem>> -> memref<128x64xf32, #tpu.memory_space<vmem>>
    %dma_wait3A_135 = arith.constant 0 : i32
    %dma_wait3A_136 = tpu.memref_slice %arg6[%dma_wait3A_129, %dma_wait3A_135] : memref<104x128xi32, #tpu.memory_space<vmem>> -> memref<1x128xi32, #tpu.memory_space<vmem>>
    %dma_wait3A_137 = tpu.memref_squeeze %dma_wait3A_136 : memref<1x128xi32, #tpu.memory_space<vmem>> -> memref<128xi32, #tpu.memory_space<vmem>>
    %dma_wait3A_138 = arith.constant 0 : i32
    %dma_wait3A_139 = arith.constant 0 : i32
    %dma_wait3A_140 = tpu.memref_slice %arg4[%dma_wait3A_138, %dma_wait3A_139] : memref<2600000x64xf32, #tpu.memory_space<hbm>> -> memref<2600000x64xf32, #tpu.memory_space<hbm>>
    tpu.wait_indirect_dma semaphore(%arg10 : memref<!tpu.dma_semaphore, #tpu.memory_space<semaphore_mem>>) src(%dma_wait3A_140 : memref<2600000x64xf32, #tpu.memory_space<hbm>>) dst(%dma_wait3A_134 : memref<128x64xf32, #tpu.memory_space<vmem>>)
    %add3A_141 = arith.constant 128 : i32
    %add3A_142 = arith.addi %mul3A_2, %add3A_141 : i32
    %dma_start3A_143 = arith.constant 1 : i32
    %dma_start3A_144 = arith.constant 0 : i32
    %dma_start3A_145 = arith.constant 0 : i32
    %dma_start3A_146 = tpu.memref_slice %arg8[%dma_start3A_143, %dma_start3A_144, %dma_start3A_145] : memref<8x128x64xf32, #tpu.memory_space<vmem>> -> memref<1x128x64xf32, #tpu.memory_space<vmem>>
    %dma_start3A_147 = tpu.memref_squeeze %dma_start3A_146 : memref<1x128x64xf32, #tpu.memory_space<vmem>> -> memref<128x64xf32, #tpu.memory_space<vmem>>
    %dma_start3A_148 = arith.constant 0 : i32
    %dma_start3A_149 = tpu.memref_slice %arg5[%add3A_142, %dma_start3A_148] : memref<425984x64xf32, #tpu.memory_space<hbm>> -> memref<128x64xf32, #tpu.memory_space<hbm>>
    %dma_start3A_150 = arith.constant 0 : i32
    %dma_start3A_151 = tpu.memref_slice %arg5[%add3A_142, %dma_start3A_150] : memref<425984x64xf32, #tpu.memory_space<hbm>> -> memref<128x64xf32, #tpu.memory_space<hbm>>
    %dma_start3A_152 = arith.constant 0 : i32
    %dma_start3A_153 = arith.constant 0 : i32
    %dma_start3A_154 = tpu.memref_slice %arg8[%dma_start3A_143, %dma_start3A_152, %dma_start3A_153] : memref<8x128x64xf32, #tpu.memory_space<vmem>> -> memref<1x128x64xf32, #tpu.memory_space<vmem>>
    %dma_start3A_155 = tpu.memref_squeeze %dma_start3A_154 : memref<1x128x64xf32, #tpu.memory_space<vmem>> -> memref<128x64xf32, #tpu.memory_space<vmem>>
    tpu.enqueue_dma source(%dma_start3A_155 : memref<128x64xf32, #tpu.memory_space<vmem>>) target(%dma_start3A_151 : memref<128x64xf32, #tpu.memory_space<hbm>>) target_semaphore(%arg18 : memref<!tpu.dma_semaphore, #tpu.memory_space<semaphore_mem>>)
    %dma_wait3A_156 = arith.constant 2 : i32
    %dma_wait3A_157 = arith.constant 2 : i32
    %dma_wait3A_158 = arith.constant 0 : i32
    %dma_wait3A_159 = arith.constant 0 : i32
    %dma_wait3A_160 = tpu.memref_slice %arg8[%dma_wait3A_157, %dma_wait3A_158, %dma_wait3A_159] : memref<8x128x64xf32, #tpu.memory_space<vmem>> -> memref<1x128x64xf32, #tpu.memory_space<vmem>>
    %dma_wait3A_161 = tpu.memref_squeeze %dma_wait3A_160 : memref<1x128x64xf32, #tpu.memory_space<vmem>> -> memref<128x64xf32, #tpu.memory_space<vmem>>
    %dma_wait3A_162 = arith.constant 0 : i32
    %dma_wait3A_163 = tpu.memref_slice %arg6[%dma_wait3A_156, %dma_wait3A_162] : memref<104x128xi32, #tpu.memory_space<vmem>> -> memref<1x128xi32, #tpu.memory_space<vmem>>
    %dma_wait3A_164 = tpu.memref_squeeze %dma_wait3A_163 : memref<1x128xi32, #tpu.memory_space<vmem>> -> memref<128xi32, #tpu.memory_space<vmem>>
    %dma_wait3A_165 = arith.constant 0 : i32
    %dma_wait3A_166 = arith.constant 0 : i32
    %dma_wait3A_167 = tpu.memref_slice %arg4[%dma_wait3A_165, %dma_wait3A_166] : memref<2600000x64xf32, #tpu.memory_space<hbm>> -> memref<2600000x64xf32, #tpu.memory_space<hbm>>
    tpu.wait_indirect_dma semaphore(%arg11 : memref<!tpu.dma_semaphore, #tpu.memory_space<semaphore_mem>>) src(%dma_wait3A_167 : memref<2600000x64xf32, #tpu.memory_space<hbm>>) dst(%dma_wait3A_161 : memref<128x64xf32, #tpu.memory_space<vmem>>)
    %add3A_168 = arith.constant 256 : i32
    %add3A_169 = arith.addi %mul3A_2, %add3A_168 : i32
    %dma_start3A_170 = arith.constant 2 : i32
    %dma_start3A_171 = arith.constant 0 : i32
    %dma_start3A_172 = arith.constant 0 : i32
    %dma_start3A_173 = tpu.memref_slice %arg8[%dma_start3A_170, %dma_start3A_171, %dma_start3A_172] : memref<8x128x64xf32, #tpu.memory_space<vmem>> -> memref<1x128x64xf32, #tpu.memory_space<vmem>>
    %dma_start3A_174 = tpu.memref_squeeze %dma_start3A_173 : memref<1x128x64xf32, #tpu.memory_space<vmem>> -> memref<128x64xf32, #tpu.memory_space<vmem>>
    %dma_start3A_175 = arith.constant 0 : i32
    %dma_start3A_176 = tpu.memref_slice %arg5[%add3A_169, %dma_start3A_175] : memref<425984x64xf32, #tpu.memory_space<hbm>> -> memref<128x64xf32, #tpu.memory_space<hbm>>
    %dma_start3A_177 = arith.constant 0 : i32
    %dma_start3A_178 = tpu.memref_slice %arg5[%add3A_169, %dma_start3A_177] : memref<425984x64xf32, #tpu.memory_space<hbm>> -> memref<128x64xf32, #tpu.memory_space<hbm>>
    %dma_start3A_179 = arith.constant 0 : i32
    %dma_start3A_180 = arith.constant 0 : i32
    %dma_start3A_181 = tpu.memref_slice %arg8[%dma_start3A_170, %dma_start3A_179, %dma_start3A_180] : memref<8x128x64xf32, #tpu.memory_space<vmem>> -> memref<1x128x64xf32, #tpu.memory_space<vmem>>
    %dma_start3A_182 = tpu.memref_squeeze %dma_start3A_181 : memref<1x128x64xf32, #tpu.memory_space<vmem>> -> memref<128x64xf32, #tpu.memory_space<vmem>>
    tpu.enqueue_dma source(%dma_start3A_182 : memref<128x64xf32, #tpu.memory_space<vmem>>) target(%dma_start3A_178 : memref<128x64xf32, #tpu.memory_space<hbm>>) target_semaphore(%arg19 : memref<!tpu.dma_semaphore, #tpu.memory_space<semaphore_mem>>)
    %dma_wait3A_183 = arith.constant 3 : i32
    %dma_wait3A_184 = arith.constant 3 : i32
    %dma_wait3A_185 = arith.constant 0 : i32
    %dma_wait3A_186 = arith.constant 0 : i32
    %dma_wait3A_187 = tpu.memref_slice %arg8[%dma_wait3A_184, %dma_wait3A_185, %dma_wait3A_186] : memref<8x128x64xf32, #tpu.memory_space<vmem>> -> memref<1x128x64xf32, #tpu.memory_space<vmem>>
    %dma_wait3A_188 = tpu.memref_squeeze %dma_wait3A_187 : memref<1x128x64xf32, #tpu.memory_space<vmem>> -> memref<128x64xf32, #tpu.memory_space<vmem>>
    %dma_wait3A_189 = arith.constant 0 : i32
    %dma_wait3A_190 = tpu.memref_slice %arg6[%dma_wait3A_183, %dma_wait3A_189] : memref<104x128xi32, #tpu.memory_space<vmem>> -> memref<1x128xi32, #tpu.memory_space<vmem>>
    %dma_wait3A_191 = tpu.memref_squeeze %dma_wait3A_190 : memref<1x128xi32, #tpu.memory_space<vmem>> -> memref<128xi32, #tpu.memory_space<vmem>>
    %dma_wait3A_192 = arith.constant 0 : i32
    %dma_wait3A_193 = arith.constant 0 : i32
    %dma_wait3A_194 = tpu.memref_slice %arg4[%dma_wait3A_192, %dma_wait3A_193] : memref<2600000x64xf32, #tpu.memory_space<hbm>> -> memref<2600000x64xf32, #tpu.memory_space<hbm>>
    tpu.wait_indirect_dma semaphore(%arg12 : memref<!tpu.dma_semaphore, #tpu.memory_space<semaphore_mem>>) src(%dma_wait3A_194 : memref<2600000x64xf32, #tpu.memory_space<hbm>>) dst(%dma_wait3A_188 : memref<128x64xf32, #tpu.memory_space<vmem>>)
    %add3A_195 = arith.constant 384 : i32
    %add3A_196 = arith.addi %mul3A_2, %add3A_195 : i32
    %dma_start3A_197 = arith.constant 3 : i32
    %dma_start3A_198 = arith.constant 0 : i32
    %dma_start3A_199 = arith.constant 0 : i32
    %dma_start3A_200 = tpu.memref_slice %arg8[%dma_start3A_197, %dma_start3A_198, %dma_start3A_199] : memref<8x128x64xf32, #tpu.memory_space<vmem>> -> memref<1x128x64xf32, #tpu.memory_space<vmem>>
    %dma_start3A_201 = tpu.memref_squeeze %dma_start3A_200 : memref<1x128x64xf32, #tpu.memory_space<vmem>> -> memref<128x64xf32, #tpu.memory_space<vmem>>
    %dma_start3A_202 = arith.constant 0 : i32
    %dma_start3A_203 = tpu.memref_slice %arg5[%add3A_196, %dma_start3A_202] : memref<425984x64xf32, #tpu.memory_space<hbm>> -> memref<128x64xf32, #tpu.memory_space<hbm>>
    %dma_start3A_204 = arith.constant 0 : i32
    %dma_start3A_205 = tpu.memref_slice %arg5[%add3A_196, %dma_start3A_204] : memref<425984x64xf32, #tpu.memory_space<hbm>> -> memref<128x64xf32, #tpu.memory_space<hbm>>
    %dma_start3A_206 = arith.constant 0 : i32
    %dma_start3A_207 = arith.constant 0 : i32
    %dma_start3A_208 = tpu.memref_slice %arg8[%dma_start3A_197, %dma_start3A_206, %dma_start3A_207] : memref<8x128x64xf32, #tpu.memory_space<vmem>> -> memref<1x128x64xf32, #tpu.memory_space<vmem>>
    %dma_start3A_209 = tpu.memref_squeeze %dma_start3A_208 : memref<1x128x64xf32, #tpu.memory_space<vmem>> -> memref<128x64xf32, #tpu.memory_space<vmem>>
    tpu.enqueue_dma source(%dma_start3A_209 : memref<128x64xf32, #tpu.memory_space<vmem>>) target(%dma_start3A_205 : memref<128x64xf32, #tpu.memory_space<hbm>>) target_semaphore(%arg20 : memref<!tpu.dma_semaphore, #tpu.memory_space<semaphore_mem>>)
    %scan3A_210 = arith.constant 0 : i32
    %scan3A_211 = arith.constant 1 : i32
    %scan3A_212 = arith.constant 12 : i32
    %scan3A_213 = arith.addi %scan3A_211, %scan3A_212 : i32
    %scan3A_214 = arith.constant 1 : i32
    scf.for %scan3A_444 = %scan3A_211 to %scan3A_213 step %scan3A_214  : i32 {
      %mul3A_445 = arith.constant 8 : i32
      %mul3A_446 = arith.muli %scan3A_444, %mul3A_445 : i32
      %add3A_447 = arith.constant 0 : i32
      %add3A_448 = arith.addi %mul3A_446, %add3A_447 : i32
      %sub3A = arith.constant 8 : i32
      %sub3A_449 = arith.subi %add3A_448, %sub3A : i32
      %mul3A_450 = arith.constant 128 : i32
      %mul3A_451 = arith.muli %sub3A_449, %mul3A_450 : i32
      %add3A_452 = arith.addi %mul3A_2, %mul3A_451 : i32
      %dma_wait3A_453 = arith.constant 0 : i32
      %dma_wait3A_454 = arith.constant 0 : i32
      %dma_wait3A_455 = arith.constant 0 : i32
      %dma_wait3A_456 = tpu.memref_slice %arg8[%dma_wait3A_453, %dma_wait3A_454, %dma_wait3A_455] : memref<8x128x64xf32, #tpu.memory_space<vmem>> -> memref<1x128x64xf32, #tpu.memory_space<vmem>>
      %dma_wait3A_457 = tpu.memref_squeeze %dma_wait3A_456 : memref<1x128x64xf32, #tpu.memory_space<vmem>> -> memref<128x64xf32, #tpu.memory_space<vmem>>
      %dma_wait3A_458 = arith.constant 0 : i32
      %dma_wait3A_459 = tpu.memref_slice %arg5[%add3A_452, %dma_wait3A_458] : memref<425984x64xf32, #tpu.memory_space<hbm>> -> memref<128x64xf32, #tpu.memory_space<hbm>>
      %dma_wait3A_460 = arith.constant 0 : i32
      %dma_wait3A_461 = tpu.memref_slice %arg5[%add3A_452, %dma_wait3A_460] : memref<425984x64xf32, #tpu.memory_space<hbm>> -> memref<128x64xf32, #tpu.memory_space<hbm>>
      %dma_wait3A_462 = arith.constant 0 : i32
      %dma_wait3A_463 = arith.constant 0 : i32
      %dma_wait3A_464 = tpu.memref_slice %arg8[%dma_wait3A_453, %dma_wait3A_462, %dma_wait3A_463] : memref<8x128x64xf32, #tpu.memory_space<vmem>> -> memref<1x128x64xf32, #tpu.memory_space<vmem>>
      %dma_wait3A_465 = tpu.memref_squeeze %dma_wait3A_464 : memref<1x128x64xf32, #tpu.memory_space<vmem>> -> memref<128x64xf32, #tpu.memory_space<vmem>>
      tpu.wait_dma2 semaphore(%arg17 : memref<!tpu.dma_semaphore, #tpu.memory_space<semaphore_mem>>) src(%dma_wait3A_465 : memref<128x64xf32, #tpu.memory_space<vmem>>) dst(%dma_wait3A_461 : memref<128x64xf32, #tpu.memory_space<hbm>>)
      %dma_start3A_466 = arith.constant 0 : i32
      %dma_start3A_467 = arith.constant 0 : i32
      %dma_start3A_468 = arith.constant 0 : i32
      %dma_start3A_469 = tpu.memref_slice %arg8[%dma_start3A_466, %dma_start3A_467, %dma_start3A_468] : memref<8x128x64xf32, #tpu.memory_space<vmem>> -> memref<1x128x64xf32, #tpu.memory_space<vmem>>
      %dma_start3A_470 = tpu.memref_squeeze %dma_start3A_469 : memref<1x128x64xf32, #tpu.memory_space<vmem>> -> memref<128x64xf32, #tpu.memory_space<vmem>>
      %dma_start3A_471 = arith.constant 0 : i32
      %dma_start3A_472 = tpu.memref_slice %arg6[%add3A_448, %dma_start3A_471] : memref<104x128xi32, #tpu.memory_space<vmem>> -> memref<1x128xi32, #tpu.memory_space<vmem>>
      %dma_start3A_473 = tpu.memref_squeeze %dma_start3A_472 : memref<1x128xi32, #tpu.memory_space<vmem>> -> memref<128xi32, #tpu.memory_space<vmem>>
      %dma_start3A_474 = arith.constant 0 : i32
      %dma_start3A_475 = arith.constant 0 : i32
      %dma_start3A_476 = tpu.memref_slice %arg4[%dma_start3A_474, %dma_start3A_475] : memref<2600000x64xf32, #tpu.memory_space<hbm>> -> memref<2600000x64xf32, #tpu.memory_space<hbm>>
      tpu.enqueue_indirect_dma source(%dma_start3A_476 : memref<2600000x64xf32, #tpu.memory_space<hbm>>) target(%dma_start3A_470 : memref<128x64xf32, #tpu.memory_space<vmem>>) offsets(%dma_start3A_473 : memref<128xi32, #tpu.memory_space<vmem>>) semaphore(%arg9 : memref<!tpu.dma_semaphore, #tpu.memory_space<semaphore_mem>>)
      %sub3A_477 = arith.constant 4 : i32
      %sub3A_478 = arith.subi %add3A_448, %sub3A_477 : i32
      %dma_wait3A_479 = arith.constant 4 : i32
      %dma_wait3A_480 = arith.constant 0 : i32
      %dma_wait3A_481 = arith.constant 0 : i32
      %dma_wait3A_482 = tpu.memref_slice %arg8[%dma_wait3A_479, %dma_wait3A_480, %dma_wait3A_481] : memref<8x128x64xf32, #tpu.memory_space<vmem>> -> memref<1x128x64xf32, #tpu.memory_space<vmem>>
      %dma_wait3A_483 = tpu.memref_squeeze %dma_wait3A_482 : memref<1x128x64xf32, #tpu.memory_space<vmem>> -> memref<128x64xf32, #tpu.memory_space<vmem>>
      %dma_wait3A_484 = arith.constant 0 : i32
      %dma_wait3A_485 = tpu.memref_slice %arg6[%sub3A_478, %dma_wait3A_484] : memref<104x128xi32, #tpu.memory_space<vmem>> -> memref<1x128xi32, #tpu.memory_space<vmem>>
      %dma_wait3A_486 = tpu.memref_squeeze %dma_wait3A_485 : memref<1x128xi32, #tpu.memory_space<vmem>> -> memref<128xi32, #tpu.memory_space<vmem>>
      %dma_wait3A_487 = arith.constant 0 : i32
      %dma_wait3A_488 = arith.constant 0 : i32
      %dma_wait3A_489 = tpu.memref_slice %arg4[%dma_wait3A_487, %dma_wait3A_488] : memref<2600000x64xf32, #tpu.memory_space<hbm>> -> memref<2600000x64xf32, #tpu.memory_space<hbm>>
      tpu.wait_indirect_dma semaphore(%arg13 : memref<!tpu.dma_semaphore, #tpu.memory_space<semaphore_mem>>) src(%dma_wait3A_489 : memref<2600000x64xf32, #tpu.memory_space<hbm>>) dst(%dma_wait3A_483 : memref<128x64xf32, #tpu.memory_space<vmem>>)
      %sub3A_490 = arith.constant 4 : i32
      %sub3A_491 = arith.subi %add3A_448, %sub3A_490 : i32
      %mul3A_492 = arith.constant 128 : i32
      %mul3A_493 = arith.muli %sub3A_491, %mul3A_492 : i32
      %add3A_494 = arith.addi %mul3A_2, %mul3A_493 : i32
      %dma_start3A_495 = arith.constant 4 : i32
      %dma_start3A_496 = arith.constant 0 : i32
      %dma_start3A_497 = arith.constant 0 : i32
      %dma_start3A_498 = tpu.memref_slice %arg8[%dma_start3A_495, %dma_start3A_496, %dma_start3A_497] : memref<8x128x64xf32, #tpu.memory_space<vmem>> -> memref<1x128x64xf32, #tpu.memory_space<vmem>>
      %dma_start3A_499 = tpu.memref_squeeze %dma_start3A_498 : memref<1x128x64xf32, #tpu.memory_space<vmem>> -> memref<128x64xf32, #tpu.memory_space<vmem>>
      %dma_start3A_500 = arith.constant 0 : i32
      %dma_start3A_501 = tpu.memref_slice %arg5[%add3A_494, %dma_start3A_500] : memref<425984x64xf32, #tpu.memory_space<hbm>> -> memref<128x64xf32, #tpu.memory_space<hbm>>
      %dma_start3A_502 = arith.constant 0 : i32
      %dma_start3A_503 = tpu.memref_slice %arg5[%add3A_494, %dma_start3A_502] : memref<425984x64xf32, #tpu.memory_space<hbm>> -> memref<128x64xf32, #tpu.memory_space<hbm>>
      %dma_start3A_504 = arith.constant 0 : i32
      %dma_start3A_505 = arith.constant 0 : i32
      %dma_start3A_506 = tpu.memref_slice %arg8[%dma_start3A_495, %dma_start3A_504, %dma_start3A_505] : memref<8x128x64xf32, #tpu.memory_space<vmem>> -> memref<1x128x64xf32, #tpu.memory_space<vmem>>
      %dma_start3A_507 = tpu.memref_squeeze %dma_start3A_506 : memref<1x128x64xf32, #tpu.memory_space<vmem>> -> memref<128x64xf32, #tpu.memory_space<vmem>>
      tpu.enqueue_dma source(%dma_start3A_507 : memref<128x64xf32, #tpu.memory_space<vmem>>) target(%dma_start3A_503 : memref<128x64xf32, #tpu.memory_space<hbm>>) target_semaphore(%arg21 : memref<!tpu.dma_semaphore, #tpu.memory_space<semaphore_mem>>)
      %add3A_508 = arith.constant 1 : i32
      %add3A_509 = arith.addi %mul3A_446, %add3A_508 : i32
      %sub3A_510 = arith.constant 8 : i32
      %sub3A_511 = arith.subi %add3A_509, %sub3A_510 : i32
      %mul3A_512 = arith.constant 128 : i32
      %mul3A_513 = arith.muli %sub3A_511, %mul3A_512 : i32
      %add3A_514 = arith.addi %mul3A_2, %mul3A_513 : i32
      %dma_wait3A_515 = arith.constant 1 : i32
      %dma_wait3A_516 = arith.constant 0 : i32
      %dma_wait3A_517 = arith.constant 0 : i32
      %dma_wait3A_518 = tpu.memref_slice %arg8[%dma_wait3A_515, %dma_wait3A_516, %dma_wait3A_517] : memref<8x128x64xf32, #tpu.memory_space<vmem>> -> memref<1x128x64xf32, #tpu.memory_space<vmem>>
      %dma_wait3A_519 = tpu.memref_squeeze %dma_wait3A_518 : memref<1x128x64xf32, #tpu.memory_space<vmem>> -> memref<128x64xf32, #tpu.memory_space<vmem>>
      %dma_wait3A_520 = arith.constant 0 : i32
      %dma_wait3A_521 = tpu.memref_slice %arg5[%add3A_514, %dma_wait3A_520] : memref<425984x64xf32, #tpu.memory_space<hbm>> -> memref<128x64xf32, #tpu.memory_space<hbm>>
      %dma_wait3A_522 = arith.constant 0 : i32
      %dma_wait3A_523 = tpu.memref_slice %arg5[%add3A_514, %dma_wait3A_522] : memref<425984x64xf32, #tpu.memory_space<hbm>> -> memref<128x64xf32, #tpu.memory_space<hbm>>
      %dma_wait3A_524 = arith.constant 0 : i32
      %dma_wait3A_525 = arith.constant 0 : i32
      %dma_wait3A_526 = tpu.memref_slice %arg8[%dma_wait3A_515, %dma_wait3A_524, %dma_wait3A_525] : memref<8x128x64xf32, #tpu.memory_space<vmem>> -> memref<1x128x64xf32, #tpu.memory_space<vmem>>
      %dma_wait3A_527 = tpu.memref_squeeze %dma_wait3A_526 : memref<1x128x64xf32, #tpu.memory_space<vmem>> -> memref<128x64xf32, #tpu.memory_space<vmem>>
      tpu.wait_dma2 semaphore(%arg18 : memref<!tpu.dma_semaphore, #tpu.memory_space<semaphore_mem>>) src(%dma_wait3A_527 : memref<128x64xf32, #tpu.memory_space<vmem>>) dst(%dma_wait3A_523 : memref<128x64xf32, #tpu.memory_space<hbm>>)
      %dma_start3A_528 = arith.constant 1 : i32
      %dma_start3A_529 = arith.constant 0 : i32
      %dma_start3A_530 = arith.constant 0 : i32
      %dma_start3A_531 = tpu.memref_slice %arg8[%dma_start3A_528, %dma_start3A_529, %dma_start3A_530] : memref<8x128x64xf32, #tpu.memory_space<vmem>> -> memref<1x128x64xf32, #tpu.memory_space<vmem>>
      %dma_start3A_532 = tpu.memref_squeeze %dma_start3A_531 : memref<1x128x64xf32, #tpu.memory_space<vmem>> -> memref<128x64xf32, #tpu.memory_space<vmem>>
      %dma_start3A_533 = arith.constant 0 : i32
      %dma_start3A_534 = tpu.memref_slice %arg6[%add3A_509, %dma_start3A_533] : memref<104x128xi32, #tpu.memory_space<vmem>> -> memref<1x128xi32, #tpu.memory_space<vmem>>
      %dma_start3A_535 = tpu.memref_squeeze %dma_start3A_534 : memref<1x128xi32, #tpu.memory_space<vmem>> -> memref<128xi32, #tpu.memory_space<vmem>>
      %dma_start3A_536 = arith.constant 0 : i32
      %dma_start3A_537 = arith.constant 0 : i32
      %dma_start3A_538 = tpu.memref_slice %arg4[%dma_start3A_536, %dma_start3A_537] : memref<2600000x64xf32, #tpu.memory_space<hbm>> -> memref<2600000x64xf32, #tpu.memory_space<hbm>>
      tpu.enqueue_indirect_dma source(%dma_start3A_538 : memref<2600000x64xf32, #tpu.memory_space<hbm>>) target(%dma_start3A_532 : memref<128x64xf32, #tpu.memory_space<vmem>>) offsets(%dma_start3A_535 : memref<128xi32, #tpu.memory_space<vmem>>) semaphore(%arg10 : memref<!tpu.dma_semaphore, #tpu.memory_space<semaphore_mem>>)
      %sub3A_539 = arith.constant 4 : i32
      %sub3A_540 = arith.subi %add3A_509, %sub3A_539 : i32
      %dma_wait3A_541 = arith.constant 5 : i32
      %dma_wait3A_542 = arith.constant 0 : i32
      %dma_wait3A_543 = arith.constant 0 : i32
      %dma_wait3A_544 = tpu.memref_slice %arg8[%dma_wait3A_541, %dma_wait3A_542, %dma_wait3A_543] : memref<8x128x64xf32, #tpu.memory_space<vmem>> -> memref<1x128x64xf32, #tpu.memory_space<vmem>>
      %dma_wait3A_545 = tpu.memref_squeeze %dma_wait3A_544 : memref<1x128x64xf32, #tpu.memory_space<vmem>> -> memref<128x64xf32, #tpu.memory_space<vmem>>
      %dma_wait3A_546 = arith.constant 0 : i32
      %dma_wait3A_547 = tpu.memref_slice %arg6[%sub3A_540, %dma_wait3A_546] : memref<104x128xi32, #tpu.memory_space<vmem>> -> memref<1x128xi32, #tpu.memory_space<vmem>>
      %dma_wait3A_548 = tpu.memref_squeeze %dma_wait3A_547 : memref<1x128xi32, #tpu.memory_space<vmem>> -> memref<128xi32, #tpu.memory_space<vmem>>
      %dma_wait3A_549 = arith.constant 0 : i32
      %dma_wait3A_550 = arith.constant 0 : i32
      %dma_wait3A_551 = tpu.memref_slice %arg4[%dma_wait3A_549, %dma_wait3A_550] : memref<2600000x64xf32, #tpu.memory_space<hbm>> -> memref<2600000x64xf32, #tpu.memory_space<hbm>>
      tpu.wait_indirect_dma semaphore(%arg14 : memref<!tpu.dma_semaphore, #tpu.memory_space<semaphore_mem>>) src(%dma_wait3A_551 : memref<2600000x64xf32, #tpu.memory_space<hbm>>) dst(%dma_wait3A_545 : memref<128x64xf32, #tpu.memory_space<vmem>>)
      %sub3A_552 = arith.constant 4 : i32
      %sub3A_553 = arith.subi %add3A_509, %sub3A_552 : i32
      %mul3A_554 = arith.constant 128 : i32
      %mul3A_555 = arith.muli %sub3A_553, %mul3A_554 : i32
      %add3A_556 = arith.addi %mul3A_2, %mul3A_555 : i32
      %dma_start3A_557 = arith.constant 5 : i32
      %dma_start3A_558 = arith.constant 0 : i32
      %dma_start3A_559 = arith.constant 0 : i32
      %dma_start3A_560 = tpu.memref_slice %arg8[%dma_start3A_557, %dma_start3A_558, %dma_start3A_559] : memref<8x128x64xf32, #tpu.memory_space<vmem>> -> memref<1x128x64xf32, #tpu.memory_space<vmem>>
      %dma_start3A_561 = tpu.memref_squeeze %dma_start3A_560 : memref<1x128x64xf32, #tpu.memory_space<vmem>> -> memref<128x64xf32, #tpu.memory_space<vmem>>
      %dma_start3A_562 = arith.constant 0 : i32
      %dma_start3A_563 = tpu.memref_slice %arg5[%add3A_556, %dma_start3A_562] : memref<425984x64xf32, #tpu.memory_space<hbm>> -> memref<128x64xf32, #tpu.memory_space<hbm>>
      %dma_start3A_564 = arith.constant 0 : i32
      %dma_start3A_565 = tpu.memref_slice %arg5[%add3A_556, %dma_start3A_564] : memref<425984x64xf32, #tpu.memory_space<hbm>> -> memref<128x64xf32, #tpu.memory_space<hbm>>
      %dma_start3A_566 = arith.constant 0 : i32
      %dma_start3A_567 = arith.constant 0 : i32
      %dma_start3A_568 = tpu.memref_slice %arg8[%dma_start3A_557, %dma_start3A_566, %dma_start3A_567] : memref<8x128x64xf32, #tpu.memory_space<vmem>> -> memref<1x128x64xf32, #tpu.memory_space<vmem>>
      %dma_start3A_569 = tpu.memref_squeeze %dma_start3A_568 : memref<1x128x64xf32, #tpu.memory_space<vmem>> -> memref<128x64xf32, #tpu.memory_space<vmem>>
      tpu.enqueue_dma source(%dma_start3A_569 : memref<128x64xf32, #tpu.memory_space<vmem>>) target(%dma_start3A_565 : memref<128x64xf32, #tpu.memory_space<hbm>>) target_semaphore(%arg22 : memref<!tpu.dma_semaphore, #tpu.memory_space<semaphore_mem>>)
      %add3A_570 = arith.constant 2 : i32
      %add3A_571 = arith.addi %mul3A_446, %add3A_570 : i32
      %sub3A_572 = arith.constant 8 : i32
      %sub3A_573 = arith.subi %add3A_571, %sub3A_572 : i32
      %mul3A_574 = arith.constant 128 : i32
      %mul3A_575 = arith.muli %sub3A_573, %mul3A_574 : i32
      %add3A_576 = arith.addi %mul3A_2, %mul3A_575 : i32
      %dma_wait3A_577 = arith.constant 2 : i32
      %dma_wait3A_578 = arith.constant 0 : i32
      %dma_wait3A_579 = arith.constant 0 : i32
      %dma_wait3A_580 = tpu.memref_slice %arg8[%dma_wait3A_577, %dma_wait3A_578, %dma_wait3A_579] : memref<8x128x64xf32, #tpu.memory_space<vmem>> -> memref<1x128x64xf32, #tpu.memory_space<vmem>>
      %dma_wait3A_581 = tpu.memref_squeeze %dma_wait3A_580 : memref<1x128x64xf32, #tpu.memory_space<vmem>> -> memref<128x64xf32, #tpu.memory_space<vmem>>
      %dma_wait3A_582 = arith.constant 0 : i32
      %dma_wait3A_583 = tpu.memref_slice %arg5[%add3A_576, %dma_wait3A_582] : memref<425984x64xf32, #tpu.memory_space<hbm>> -> memref<128x64xf32, #tpu.memory_space<hbm>>
      %dma_wait3A_584 = arith.constant 0 : i32
      %dma_wait3A_585 = tpu.memref_slice %arg5[%add3A_576, %dma_wait3A_584] : memref<425984x64xf32, #tpu.memory_space<hbm>> -> memref<128x64xf32, #tpu.memory_space<hbm>>
      %dma_wait3A_586 = arith.constant 0 : i32
      %dma_wait3A_587 = arith.constant 0 : i32
      %dma_wait3A_588 = tpu.memref_slice %arg8[%dma_wait3A_577, %dma_wait3A_586, %dma_wait3A_587] : memref<8x128x64xf32, #tpu.memory_space<vmem>> -> memref<1x128x64xf32, #tpu.memory_space<vmem>>
      %dma_wait3A_589 = tpu.memref_squeeze %dma_wait3A_588 : memref<1x128x64xf32, #tpu.memory_space<vmem>> -> memref<128x64xf32, #tpu.memory_space<vmem>>
      tpu.wait_dma2 semaphore(%arg19 : memref<!tpu.dma_semaphore, #tpu.memory_space<semaphore_mem>>) src(%dma_wait3A_589 : memref<128x64xf32, #tpu.memory_space<vmem>>) dst(%dma_wait3A_585 : memref<128x64xf32, #tpu.memory_space<hbm>>)
      %dma_start3A_590 = arith.constant 2 : i32
      %dma_start3A_591 = arith.constant 0 : i32
      %dma_start3A_592 = arith.constant 0 : i32
      %dma_start3A_593 = tpu.memref_slice %arg8[%dma_start3A_590, %dma_start3A_591, %dma_start3A_592] : memref<8x128x64xf32, #tpu.memory_space<vmem>> -> memref<1x128x64xf32, #tpu.memory_space<vmem>>
      %dma_start3A_594 = tpu.memref_squeeze %dma_start3A_593 : memref<1x128x64xf32, #tpu.memory_space<vmem>> -> memref<128x64xf32, #tpu.memory_space<vmem>>
      %dma_start3A_595 = arith.constant 0 : i32
      %dma_start3A_596 = tpu.memref_slice %arg6[%add3A_571, %dma_start3A_595] : memref<104x128xi32, #tpu.memory_space<vmem>> -> memref<1x128xi32, #tpu.memory_space<vmem>>
      %dma_start3A_597 = tpu.memref_squeeze %dma_start3A_596 : memref<1x128xi32, #tpu.memory_space<vmem>> -> memref<128xi32, #tpu.memory_space<vmem>>
      %dma_start3A_598 = arith.constant 0 : i32
      %dma_start3A_599 = arith.constant 0 : i32
      %dma_start3A_600 = tpu.memref_slice %arg4[%dma_start3A_598, %dma_start3A_599] : memref<2600000x64xf32, #tpu.memory_space<hbm>> -> memref<2600000x64xf32, #tpu.memory_space<hbm>>
      tpu.enqueue_indirect_dma source(%dma_start3A_600 : memref<2600000x64xf32, #tpu.memory_space<hbm>>) target(%dma_start3A_594 : memref<128x64xf32, #tpu.memory_space<vmem>>) offsets(%dma_start3A_597 : memref<128xi32, #tpu.memory_space<vmem>>) semaphore(%arg11 : memref<!tpu.dma_semaphore, #tpu.memory_space<semaphore_mem>>)
      %sub3A_601 = arith.constant 4 : i32
      %sub3A_602 = arith.subi %add3A_571, %sub3A_601 : i32
      %dma_wait3A_603 = arith.constant 6 : i32
      %dma_wait3A_604 = arith.constant 0 : i32
      %dma_wait3A_605 = arith.constant 0 : i32
      %dma_wait3A_606 = tpu.memref_slice %arg8[%dma_wait3A_603, %dma_wait3A_604, %dma_wait3A_605] : memref<8x128x64xf32, #tpu.memory_space<vmem>> -> memref<1x128x64xf32, #tpu.memory_space<vmem>>
      %dma_wait3A_607 = tpu.memref_squeeze %dma_wait3A_606 : memref<1x128x64xf32, #tpu.memory_space<vmem>> -> memref<128x64xf32, #tpu.memory_space<vmem>>
      %dma_wait3A_608 = arith.constant 0 : i32
      %dma_wait3A_609 = tpu.memref_slice %arg6[%sub3A_602, %dma_wait3A_608] : memref<104x128xi32, #tpu.memory_space<vmem>> -> memref<1x128xi32, #tpu.memory_space<vmem>>
      %dma_wait3A_610 = tpu.memref_squeeze %dma_wait3A_609 : memref<1x128xi32, #tpu.memory_space<vmem>> -> memref<128xi32, #tpu.memory_space<vmem>>
      %dma_wait3A_611 = arith.constant 0 : i32
      %dma_wait3A_612 = arith.constant 0 : i32
      %dma_wait3A_613 = tpu.memref_slice %arg4[%dma_wait3A_611, %dma_wait3A_612] : memref<2600000x64xf32, #tpu.memory_space<hbm>> -> memref<2600000x64xf32, #tpu.memory_space<hbm>>
      tpu.wait_indirect_dma semaphore(%arg15 : memref<!tpu.dma_semaphore, #tpu.memory_space<semaphore_mem>>) src(%dma_wait3A_613 : memref<2600000x64xf32, #tpu.memory_space<hbm>>) dst(%dma_wait3A_607 : memref<128x64xf32, #tpu.memory_space<vmem>>)
      %sub3A_614 = arith.constant 4 : i32
      %sub3A_615 = arith.subi %add3A_571, %sub3A_614 : i32
      %mul3A_616 = arith.constant 128 : i32
      %mul3A_617 = arith.muli %sub3A_615, %mul3A_616 : i32
      %add3A_618 = arith.addi %mul3A_2, %mul3A_617 : i32
      %dma_start3A_619 = arith.constant 6 : i32
      %dma_start3A_620 = arith.constant 0 : i32
      %dma_start3A_621 = arith.constant 0 : i32
      %dma_start3A_622 = tpu.memref_slice %arg8[%dma_start3A_619, %dma_start3A_620, %dma_start3A_621] : memref<8x128x64xf32, #tpu.memory_space<vmem>> -> memref<1x128x64xf32, #tpu.memory_space<vmem>>
      %dma_start3A_623 = tpu.memref_squeeze %dma_start3A_622 : memref<1x128x64xf32, #tpu.memory_space<vmem>> -> memref<128x64xf32, #tpu.memory_space<vmem>>
      %dma_start3A_624 = arith.constant 0 : i32
      %dma_start3A_625 = tpu.memref_slice %arg5[%add3A_618, %dma_start3A_624] : memref<425984x64xf32, #tpu.memory_space<hbm>> -> memref<128x64xf32, #tpu.memory_space<hbm>>
      %dma_start3A_626 = arith.constant 0 : i32
      %dma_start3A_627 = tpu.memref_slice %arg5[%add3A_618, %dma_start3A_626] : memref<425984x64xf32, #tpu.memory_space<hbm>> -> memref<128x64xf32, #tpu.memory_space<hbm>>
      %dma_start3A_628 = arith.constant 0 : i32
      %dma_start3A_629 = arith.constant 0 : i32
      %dma_start3A_630 = tpu.memref_slice %arg8[%dma_start3A_619, %dma_start3A_628, %dma_start3A_629] : memref<8x128x64xf32, #tpu.memory_space<vmem>> -> memref<1x128x64xf32, #tpu.memory_space<vmem>>
      %dma_start3A_631 = tpu.memref_squeeze %dma_start3A_630 : memref<1x128x64xf32, #tpu.memory_space<vmem>> -> memref<128x64xf32, #tpu.memory_space<vmem>>
      tpu.enqueue_dma source(%dma_start3A_631 : memref<128x64xf32, #tpu.memory_space<vmem>>) target(%dma_start3A_627 : memref<128x64xf32, #tpu.memory_space<hbm>>) target_semaphore(%arg23 : memref<!tpu.dma_semaphore, #tpu.memory_space<semaphore_mem>>)
      %add3A_632 = arith.constant 3 : i32
      %add3A_633 = arith.addi %mul3A_446, %add3A_632 : i32
      %sub3A_634 = arith.constant 8 : i32
      %sub3A_635 = arith.subi %add3A_633, %sub3A_634 : i32
      %mul3A_636 = arith.constant 128 : i32
      %mul3A_637 = arith.muli %sub3A_635, %mul3A_636 : i32
      %add3A_638 = arith.addi %mul3A_2, %mul3A_637 : i32
      %dma_wait3A_639 = arith.constant 3 : i32
      %dma_wait3A_640 = arith.constant 0 : i32
      %dma_wait3A_641 = arith.constant 0 : i32
      %dma_wait3A_642 = tpu.memref_slice %arg8[%dma_wait3A_639, %dma_wait3A_640, %dma_wait3A_641] : memref<8x128x64xf32, #tpu.memory_space<vmem>> -> memref<1x128x64xf32, #tpu.memory_space<vmem>>
      %dma_wait3A_643 = tpu.memref_squeeze %dma_wait3A_642 : memref<1x128x64xf32, #tpu.memory_space<vmem>> -> memref<128x64xf32, #tpu.memory_space<vmem>>
      %dma_wait3A_644 = arith.constant 0 : i32
      %dma_wait3A_645 = tpu.memref_slice %arg5[%add3A_638, %dma_wait3A_644] : memref<425984x64xf32, #tpu.memory_space<hbm>> -> memref<128x64xf32, #tpu.memory_space<hbm>>
      %dma_wait3A_646 = arith.constant 0 : i32
      %dma_wait3A_647 = tpu.memref_slice %arg5[%add3A_638, %dma_wait3A_646] : memref<425984x64xf32, #tpu.memory_space<hbm>> -> memref<128x64xf32, #tpu.memory_space<hbm>>
      %dma_wait3A_648 = arith.constant 0 : i32
      %dma_wait3A_649 = arith.constant 0 : i32
      %dma_wait3A_650 = tpu.memref_slice %arg8[%dma_wait3A_639, %dma_wait3A_648, %dma_wait3A_649] : memref<8x128x64xf32, #tpu.memory_space<vmem>> -> memref<1x128x64xf32, #tpu.memory_space<vmem>>
      %dma_wait3A_651 = tpu.memref_squeeze %dma_wait3A_650 : memref<1x128x64xf32, #tpu.memory_space<vmem>> -> memref<128x64xf32, #tpu.memory_space<vmem>>
      tpu.wait_dma2 semaphore(%arg20 : memref<!tpu.dma_semaphore, #tpu.memory_space<semaphore_mem>>) src(%dma_wait3A_651 : memref<128x64xf32, #tpu.memory_space<vmem>>) dst(%dma_wait3A_647 : memref<128x64xf32, #tpu.memory_space<hbm>>)
      %dma_start3A_652 = arith.constant 3 : i32
      %dma_start3A_653 = arith.constant 0 : i32
      %dma_start3A_654 = arith.constant 0 : i32
      %dma_start3A_655 = tpu.memref_slice %arg8[%dma_start3A_652, %dma_start3A_653, %dma_start3A_654] : memref<8x128x64xf32, #tpu.memory_space<vmem>> -> memref<1x128x64xf32, #tpu.memory_space<vmem>>
      %dma_start3A_656 = tpu.memref_squeeze %dma_start3A_655 : memref<1x128x64xf32, #tpu.memory_space<vmem>> -> memref<128x64xf32, #tpu.memory_space<vmem>>
      %dma_start3A_657 = arith.constant 0 : i32
      %dma_start3A_658 = tpu.memref_slice %arg6[%add3A_633, %dma_start3A_657] : memref<104x128xi32, #tpu.memory_space<vmem>> -> memref<1x128xi32, #tpu.memory_space<vmem>>
      %dma_start3A_659 = tpu.memref_squeeze %dma_start3A_658 : memref<1x128xi32, #tpu.memory_space<vmem>> -> memref<128xi32, #tpu.memory_space<vmem>>
      %dma_start3A_660 = arith.constant 0 : i32
      %dma_start3A_661 = arith.constant 0 : i32
      %dma_start3A_662 = tpu.memref_slice %arg4[%dma_start3A_660, %dma_start3A_661] : memref<2600000x64xf32, #tpu.memory_space<hbm>> -> memref<2600000x64xf32, #tpu.memory_space<hbm>>
      tpu.enqueue_indirect_dma source(%dma_start3A_662 : memref<2600000x64xf32, #tpu.memory_space<hbm>>) target(%dma_start3A_656 : memref<128x64xf32, #tpu.memory_space<vmem>>) offsets(%dma_start3A_659 : memref<128xi32, #tpu.memory_space<vmem>>) semaphore(%arg12 : memref<!tpu.dma_semaphore, #tpu.memory_space<semaphore_mem>>)
      %sub3A_663 = arith.constant 4 : i32
      %sub3A_664 = arith.subi %add3A_633, %sub3A_663 : i32
      %dma_wait3A_665 = arith.constant 7 : i32
      %dma_wait3A_666 = arith.constant 0 : i32
      %dma_wait3A_667 = arith.constant 0 : i32
      %dma_wait3A_668 = tpu.memref_slice %arg8[%dma_wait3A_665, %dma_wait3A_666, %dma_wait3A_667] : memref<8x128x64xf32, #tpu.memory_space<vmem>> -> memref<1x128x64xf32, #tpu.memory_space<vmem>>
      %dma_wait3A_669 = tpu.memref_squeeze %dma_wait3A_668 : memref<1x128x64xf32, #tpu.memory_space<vmem>> -> memref<128x64xf32, #tpu.memory_space<vmem>>
      %dma_wait3A_670 = arith.constant 0 : i32
      %dma_wait3A_671 = tpu.memref_slice %arg6[%sub3A_664, %dma_wait3A_670] : memref<104x128xi32, #tpu.memory_space<vmem>> -> memref<1x128xi32, #tpu.memory_space<vmem>>
      %dma_wait3A_672 = tpu.memref_squeeze %dma_wait3A_671 : memref<1x128xi32, #tpu.memory_space<vmem>> -> memref<128xi32, #tpu.memory_space<vmem>>
      %dma_wait3A_673 = arith.constant 0 : i32
      %dma_wait3A_674 = arith.constant 0 : i32
      %dma_wait3A_675 = tpu.memref_slice %arg4[%dma_wait3A_673, %dma_wait3A_674] : memref<2600000x64xf32, #tpu.memory_space<hbm>> -> memref<2600000x64xf32, #tpu.memory_space<hbm>>
      tpu.wait_indirect_dma semaphore(%arg16 : memref<!tpu.dma_semaphore, #tpu.memory_space<semaphore_mem>>) src(%dma_wait3A_675 : memref<2600000x64xf32, #tpu.memory_space<hbm>>) dst(%dma_wait3A_669 : memref<128x64xf32, #tpu.memory_space<vmem>>)
      %sub3A_676 = arith.constant 4 : i32
      %sub3A_677 = arith.subi %add3A_633, %sub3A_676 : i32
      %mul3A_678 = arith.constant 128 : i32
      %mul3A_679 = arith.muli %sub3A_677, %mul3A_678 : i32
      %add3A_680 = arith.addi %mul3A_2, %mul3A_679 : i32
      %dma_start3A_681 = arith.constant 7 : i32
      %dma_start3A_682 = arith.constant 0 : i32
      %dma_start3A_683 = arith.constant 0 : i32
      %dma_start3A_684 = tpu.memref_slice %arg8[%dma_start3A_681, %dma_start3A_682, %dma_start3A_683] : memref<8x128x64xf32, #tpu.memory_space<vmem>> -> memref<1x128x64xf32, #tpu.memory_space<vmem>>
      %dma_start3A_685 = tpu.memref_squeeze %dma_start3A_684 : memref<1x128x64xf32, #tpu.memory_space<vmem>> -> memref<128x64xf32, #tpu.memory_space<vmem>>
      %dma_start3A_686 = arith.constant 0 : i32
      %dma_start3A_687 = tpu.memref_slice %arg5[%add3A_680, %dma_start3A_686] : memref<425984x64xf32, #tpu.memory_space<hbm>> -> memref<128x64xf32, #tpu.memory_space<hbm>>
      %dma_start3A_688 = arith.constant 0 : i32
      %dma_start3A_689 = tpu.memref_slice %arg5[%add3A_680, %dma_start3A_688] : memref<425984x64xf32, #tpu.memory_space<hbm>> -> memref<128x64xf32, #tpu.memory_space<hbm>>
      %dma_start3A_690 = arith.constant 0 : i32
      %dma_start3A_691 = arith.constant 0 : i32
      %dma_start3A_692 = tpu.memref_slice %arg8[%dma_start3A_681, %dma_start3A_690, %dma_start3A_691] : memref<8x128x64xf32, #tpu.memory_space<vmem>> -> memref<1x128x64xf32, #tpu.memory_space<vmem>>
      %dma_start3A_693 = tpu.memref_squeeze %dma_start3A_692 : memref<1x128x64xf32, #tpu.memory_space<vmem>> -> memref<128x64xf32, #tpu.memory_space<vmem>>
      tpu.enqueue_dma source(%dma_start3A_693 : memref<128x64xf32, #tpu.memory_space<vmem>>) target(%dma_start3A_689 : memref<128x64xf32, #tpu.memory_space<hbm>>) target_semaphore(%arg24 : memref<!tpu.dma_semaphore, #tpu.memory_space<semaphore_mem>>)
      %add3A_694 = arith.constant 4 : i32
      %add3A_695 = arith.addi %mul3A_446, %add3A_694 : i32
      %sub3A_696 = arith.constant 8 : i32
      %sub3A_697 = arith.subi %add3A_695, %sub3A_696 : i32
      %mul3A_698 = arith.constant 128 : i32
      %mul3A_699 = arith.muli %sub3A_697, %mul3A_698 : i32
      %add3A_700 = arith.addi %mul3A_2, %mul3A_699 : i32
      %dma_wait3A_701 = arith.constant 4 : i32
      %dma_wait3A_702 = arith.constant 0 : i32
      %dma_wait3A_703 = arith.constant 0 : i32
      %dma_wait3A_704 = tpu.memref_slice %arg8[%dma_wait3A_701, %dma_wait3A_702, %dma_wait3A_703] : memref<8x128x64xf32, #tpu.memory_space<vmem>> -> memref<1x128x64xf32, #tpu.memory_space<vmem>>
      %dma_wait3A_705 = tpu.memref_squeeze %dma_wait3A_704 : memref<1x128x64xf32, #tpu.memory_space<vmem>> -> memref<128x64xf32, #tpu.memory_space<vmem>>
      %dma_wait3A_706 = arith.constant 0 : i32
      %dma_wait3A_707 = tpu.memref_slice %arg5[%add3A_700, %dma_wait3A_706] : memref<425984x64xf32, #tpu.memory_space<hbm>> -> memref<128x64xf32, #tpu.memory_space<hbm>>
      %dma_wait3A_708 = arith.constant 0 : i32
      %dma_wait3A_709 = tpu.memref_slice %arg5[%add3A_700, %dma_wait3A_708] : memref<425984x64xf32, #tpu.memory_space<hbm>> -> memref<128x64xf32, #tpu.memory_space<hbm>>
      %dma_wait3A_710 = arith.constant 0 : i32
      %dma_wait3A_711 = arith.constant 0 : i32
      %dma_wait3A_712 = tpu.memref_slice %arg8[%dma_wait3A_701, %dma_wait3A_710, %dma_wait3A_711] : memref<8x128x64xf32, #tpu.memory_space<vmem>> -> memref<1x128x64xf32, #tpu.memory_space<vmem>>
      %dma_wait3A_713 = tpu.memref_squeeze %dma_wait3A_712 : memref<1x128x64xf32, #tpu.memory_space<vmem>> -> memref<128x64xf32, #tpu.memory_space<vmem>>
      tpu.wait_dma2 semaphore(%arg21 : memref<!tpu.dma_semaphore, #tpu.memory_space<semaphore_mem>>) src(%dma_wait3A_713 : memref<128x64xf32, #tpu.memory_space<vmem>>) dst(%dma_wait3A_709 : memref<128x64xf32, #tpu.memory_space<hbm>>)
      %dma_start3A_714 = arith.constant 4 : i32
      %dma_start3A_715 = arith.constant 0 : i32
      %dma_start3A_716 = arith.constant 0 : i32
      %dma_start3A_717 = tpu.memref_slice %arg8[%dma_start3A_714, %dma_start3A_715, %dma_start3A_716] : memref<8x128x64xf32, #tpu.memory_space<vmem>> -> memref<1x128x64xf32, #tpu.memory_space<vmem>>
      %dma_start3A_718 = tpu.memref_squeeze %dma_start3A_717 : memref<1x128x64xf32, #tpu.memory_space<vmem>> -> memref<128x64xf32, #tpu.memory_space<vmem>>
      %dma_start3A_719 = arith.constant 0 : i32
      %dma_start3A_720 = tpu.memref_slice %arg6[%add3A_695, %dma_start3A_719] : memref<104x128xi32, #tpu.memory_space<vmem>> -> memref<1x128xi32, #tpu.memory_space<vmem>>
      %dma_start3A_721 = tpu.memref_squeeze %dma_start3A_720 : memref<1x128xi32, #tpu.memory_space<vmem>> -> memref<128xi32, #tpu.memory_space<vmem>>
      %dma_start3A_722 = arith.constant 0 : i32
      %dma_start3A_723 = arith.constant 0 : i32
      %dma_start3A_724 = tpu.memref_slice %arg4[%dma_start3A_722, %dma_start3A_723] : memref<2600000x64xf32, #tpu.memory_space<hbm>> -> memref<2600000x64xf32, #tpu.memory_space<hbm>>
      tpu.enqueue_indirect_dma source(%dma_start3A_724 : memref<2600000x64xf32, #tpu.memory_space<hbm>>) target(%dma_start3A_718 : memref<128x64xf32, #tpu.memory_space<vmem>>) offsets(%dma_start3A_721 : memref<128xi32, #tpu.memory_space<vmem>>) semaphore(%arg13 : memref<!tpu.dma_semaphore, #tpu.memory_space<semaphore_mem>>)
      %sub3A_725 = arith.constant 4 : i32
      %sub3A_726 = arith.subi %add3A_695, %sub3A_725 : i32
      %dma_wait3A_727 = arith.constant 0 : i32
      %dma_wait3A_728 = arith.constant 0 : i32
      %dma_wait3A_729 = arith.constant 0 : i32
      %dma_wait3A_730 = tpu.memref_slice %arg8[%dma_wait3A_727, %dma_wait3A_728, %dma_wait3A_729] : memref<8x128x64xf32, #tpu.memory_space<vmem>> -> memref<1x128x64xf32, #tpu.memory_space<vmem>>
      %dma_wait3A_731 = tpu.memref_squeeze %dma_wait3A_730 : memref<1x128x64xf32, #tpu.memory_space<vmem>> -> memref<128x64xf32, #tpu.memory_space<vmem>>
      %dma_wait3A_732 = arith.constant 0 : i32
      %dma_wait3A_733 = tpu.memref_slice %arg6[%sub3A_726, %dma_wait3A_732] : memref<104x128xi32, #tpu.memory_space<vmem>> -> memref<1x128xi32, #tpu.memory_space<vmem>>
      %dma_wait3A_734 = tpu.memref_squeeze %dma_wait3A_733 : memref<1x128xi32, #tpu.memory_space<vmem>> -> memref<128xi32, #tpu.memory_space<vmem>>
      %dma_wait3A_735 = arith.constant 0 : i32
      %dma_wait3A_736 = arith.constant 0 : i32
      %dma_wait3A_737 = tpu.memref_slice %arg4[%dma_wait3A_735, %dma_wait3A_736] : memref<2600000x64xf32, #tpu.memory_space<hbm>> -> memref<2600000x64xf32, #tpu.memory_space<hbm>>
      tpu.wait_indirect_dma semaphore(%arg9 : memref<!tpu.dma_semaphore, #tpu.memory_space<semaphore_mem>>) src(%dma_wait3A_737 : memref<2600000x64xf32, #tpu.memory_space<hbm>>) dst(%dma_wait3A_731 : memref<128x64xf32, #tpu.memory_space<vmem>>)
      %sub3A_738 = arith.constant 4 : i32
      %sub3A_739 = arith.subi %add3A_695, %sub3A_738 : i32
      %mul3A_740 = arith.constant 128 : i32
      %mul3A_741 = arith.muli %sub3A_739, %mul3A_740 : i32
      %add3A_742 = arith.addi %mul3A_2, %mul3A_741 : i32
      %dma_start3A_743 = arith.constant 0 : i32
      %dma_start3A_744 = arith.constant 0 : i32
      %dma_start3A_745 = arith.constant 0 : i32
      %dma_start3A_746 = tpu.memref_slice %arg8[%dma_start3A_743, %dma_start3A_744, %dma_start3A_745] : memref<8x128x64xf32, #tpu.memory_space<vmem>> -> memref<1x128x64xf32, #tpu.memory_space<vmem>>
      %dma_start3A_747 = tpu.memref_squeeze %dma_start3A_746 : memref<1x128x64xf32, #tpu.memory_space<vmem>> -> memref<128x64xf32, #tpu.memory_space<vmem>>
      %dma_start3A_748 = arith.constant 0 : i32
      %dma_start3A_749 = tpu.memref_slice %arg5[%add3A_742, %dma_start3A_748] : memref<425984x64xf32, #tpu.memory_space<hbm>> -> memref<128x64xf32, #tpu.memory_space<hbm>>
      %dma_start3A_750 = arith.constant 0 : i32
      %dma_start3A_751 = tpu.memref_slice %arg5[%add3A_742, %dma_start3A_750] : memref<425984x64xf32, #tpu.memory_space<hbm>> -> memref<128x64xf32, #tpu.memory_space<hbm>>
      %dma_start3A_752 = arith.constant 0 : i32
      %dma_start3A_753 = arith.constant 0 : i32
      %dma_start3A_754 = tpu.memref_slice %arg8[%dma_start3A_743, %dma_start3A_752, %dma_start3A_753] : memref<8x128x64xf32, #tpu.memory_space<vmem>> -> memref<1x128x64xf32, #tpu.memory_space<vmem>>
      %dma_start3A_755 = tpu.memref_squeeze %dma_start3A_754 : memref<1x128x64xf32, #tpu.memory_space<vmem>> -> memref<128x64xf32, #tpu.memory_space<vmem>>
      tpu.enqueue_dma source(%dma_start3A_755 : memref<128x64xf32, #tpu.memory_space<vmem>>) target(%dma_start3A_751 : memref<128x64xf32, #tpu.memory_space<hbm>>) target_semaphore(%arg17 : memref<!tpu.dma_semaphore, #tpu.memory_space<semaphore_mem>>)
      %add3A_756 = arith.constant 5 : i32
      %add3A_757 = arith.addi %mul3A_446, %add3A_756 : i32
      %sub3A_758 = arith.constant 8 : i32
      %sub3A_759 = arith.subi %add3A_757, %sub3A_758 : i32
      %mul3A_760 = arith.constant 128 : i32
      %mul3A_761 = arith.muli %sub3A_759, %mul3A_760 : i32
      %add3A_762 = arith.addi %mul3A_2, %mul3A_761 : i32
      %dma_wait3A_763 = arith.constant 5 : i32
      %dma_wait3A_764 = arith.constant 0 : i32
      %dma_wait3A_765 = arith.constant 0 : i32
      %dma_wait3A_766 = tpu.memref_slice %arg8[%dma_wait3A_763, %dma_wait3A_764, %dma_wait3A_765] : memref<8x128x64xf32, #tpu.memory_space<vmem>> -> memref<1x128x64xf32, #tpu.memory_space<vmem>>
      %dma_wait3A_767 = tpu.memref_squeeze %dma_wait3A_766 : memref<1x128x64xf32, #tpu.memory_space<vmem>> -> memref<128x64xf32, #tpu.memory_space<vmem>>
      %dma_wait3A_768 = arith.constant 0 : i32
      %dma_wait3A_769 = tpu.memref_slice %arg5[%add3A_762, %dma_wait3A_768] : memref<425984x64xf32, #tpu.memory_space<hbm>> -> memref<128x64xf32, #tpu.memory_space<hbm>>
      %dma_wait3A_770 = arith.constant 0 : i32
      %dma_wait3A_771 = tpu.memref_slice %arg5[%add3A_762, %dma_wait3A_770] : memref<425984x64xf32, #tpu.memory_space<hbm>> -> memref<128x64xf32, #tpu.memory_space<hbm>>
      %dma_wait3A_772 = arith.constant 0 : i32
      %dma_wait3A_773 = arith.constant 0 : i32
      %dma_wait3A_774 = tpu.memref_slice %arg8[%dma_wait3A_763, %dma_wait3A_772, %dma_wait3A_773] : memref<8x128x64xf32, #tpu.memory_space<vmem>> -> memref<1x128x64xf32, #tpu.memory_space<vmem>>
      %dma_wait3A_775 = tpu.memref_squeeze %dma_wait3A_774 : memref<1x128x64xf32, #tpu.memory_space<vmem>> -> memref<128x64xf32, #tpu.memory_space<vmem>>
      tpu.wait_dma2 semaphore(%arg22 : memref<!tpu.dma_semaphore, #tpu.memory_space<semaphore_mem>>) src(%dma_wait3A_775 : memref<128x64xf32, #tpu.memory_space<vmem>>) dst(%dma_wait3A_771 : memref<128x64xf32, #tpu.memory_space<hbm>>)
      %dma_start3A_776 = arith.constant 5 : i32
      %dma_start3A_777 = arith.constant 0 : i32
      %dma_start3A_778 = arith.constant 0 : i32
      %dma_start3A_779 = tpu.memref_slice %arg8[%dma_start3A_776, %dma_start3A_777, %dma_start3A_778] : memref<8x128x64xf32, #tpu.memory_space<vmem>> -> memref<1x128x64xf32, #tpu.memory_space<vmem>>
      %dma_start3A_780 = tpu.memref_squeeze %dma_start3A_779 : memref<1x128x64xf32, #tpu.memory_space<vmem>> -> memref<128x64xf32, #tpu.memory_space<vmem>>
      %dma_start3A_781 = arith.constant 0 : i32
      %dma_start3A_782 = tpu.memref_slice %arg6[%add3A_757, %dma_start3A_781] : memref<104x128xi32, #tpu.memory_space<vmem>> -> memref<1x128xi32, #tpu.memory_space<vmem>>
      %dma_start3A_783 = tpu.memref_squeeze %dma_start3A_782 : memref<1x128xi32, #tpu.memory_space<vmem>> -> memref<128xi32, #tpu.memory_space<vmem>>
      %dma_start3A_784 = arith.constant 0 : i32
      %dma_start3A_785 = arith.constant 0 : i32
      %dma_start3A_786 = tpu.memref_slice %arg4[%dma_start3A_784, %dma_start3A_785] : memref<2600000x64xf32, #tpu.memory_space<hbm>> -> memref<2600000x64xf32, #tpu.memory_space<hbm>>
      tpu.enqueue_indirect_dma source(%dma_start3A_786 : memref<2600000x64xf32, #tpu.memory_space<hbm>>) target(%dma_start3A_780 : memref<128x64xf32, #tpu.memory_space<vmem>>) offsets(%dma_start3A_783 : memref<128xi32, #tpu.memory_space<vmem>>) semaphore(%arg14 : memref<!tpu.dma_semaphore, #tpu.memory_space<semaphore_mem>>)
      %sub3A_787 = arith.constant 4 : i32
      %sub3A_788 = arith.subi %add3A_757, %sub3A_787 : i32
      %dma_wait3A_789 = arith.constant 1 : i32
      %dma_wait3A_790 = arith.constant 0 : i32
      %dma_wait3A_791 = arith.constant 0 : i32
      %dma_wait3A_792 = tpu.memref_slice %arg8[%dma_wait3A_789, %dma_wait3A_790, %dma_wait3A_791] : memref<8x128x64xf32, #tpu.memory_space<vmem>> -> memref<1x128x64xf32, #tpu.memory_space<vmem>>
      %dma_wait3A_793 = tpu.memref_squeeze %dma_wait3A_792 : memref<1x128x64xf32, #tpu.memory_space<vmem>> -> memref<128x64xf32, #tpu.memory_space<vmem>>
      %dma_wait3A_794 = arith.constant 0 : i32
      %dma_wait3A_795 = tpu.memref_slice %arg6[%sub3A_788, %dma_wait3A_794] : memref<104x128xi32, #tpu.memory_space<vmem>> -> memref<1x128xi32, #tpu.memory_space<vmem>>
      %dma_wait3A_796 = tpu.memref_squeeze %dma_wait3A_795 : memref<1x128xi32, #tpu.memory_space<vmem>> -> memref<128xi32, #tpu.memory_space<vmem>>
      %dma_wait3A_797 = arith.constant 0 : i32
      %dma_wait3A_798 = arith.constant 0 : i32
      %dma_wait3A_799 = tpu.memref_slice %arg4[%dma_wait3A_797, %dma_wait3A_798] : memref<2600000x64xf32, #tpu.memory_space<hbm>> -> memref<2600000x64xf32, #tpu.memory_space<hbm>>
      tpu.wait_indirect_dma semaphore(%arg10 : memref<!tpu.dma_semaphore, #tpu.memory_space<semaphore_mem>>) src(%dma_wait3A_799 : memref<2600000x64xf32, #tpu.memory_space<hbm>>) dst(%dma_wait3A_793 : memref<128x64xf32, #tpu.memory_space<vmem>>)
      %sub3A_800 = arith.constant 4 : i32
      %sub3A_801 = arith.subi %add3A_757, %sub3A_800 : i32
      %mul3A_802 = arith.constant 128 : i32
      %mul3A_803 = arith.muli %sub3A_801, %mul3A_802 : i32
      %add3A_804 = arith.addi %mul3A_2, %mul3A_803 : i32
      %dma_start3A_805 = arith.constant 1 : i32
      %dma_start3A_806 = arith.constant 0 : i32
      %dma_start3A_807 = arith.constant 0 : i32
      %dma_start3A_808 = tpu.memref_slice %arg8[%dma_start3A_805, %dma_start3A_806, %dma_start3A_807] : memref<8x128x64xf32, #tpu.memory_space<vmem>> -> memref<1x128x64xf32, #tpu.memory_space<vmem>>
      %dma_start3A_809 = tpu.memref_squeeze %dma_start3A_808 : memref<1x128x64xf32, #tpu.memory_space<vmem>> -> memref<128x64xf32, #tpu.memory_space<vmem>>
      %dma_start3A_810 = arith.constant 0 : i32
      %dma_start3A_811 = tpu.memref_slice %arg5[%add3A_804, %dma_start3A_810] : memref<425984x64xf32, #tpu.memory_space<hbm>> -> memref<128x64xf32, #tpu.memory_space<hbm>>
      %dma_start3A_812 = arith.constant 0 : i32
      %dma_start3A_813 = tpu.memref_slice %arg5[%add3A_804, %dma_start3A_812] : memref<425984x64xf32, #tpu.memory_space<hbm>> -> memref<128x64xf32, #tpu.memory_space<hbm>>
      %dma_start3A_814 = arith.constant 0 : i32
      %dma_start3A_815 = arith.constant 0 : i32
      %dma_start3A_816 = tpu.memref_slice %arg8[%dma_start3A_805, %dma_start3A_814, %dma_start3A_815] : memref<8x128x64xf32, #tpu.memory_space<vmem>> -> memref<1x128x64xf32, #tpu.memory_space<vmem>>
      %dma_start3A_817 = tpu.memref_squeeze %dma_start3A_816 : memref<1x128x64xf32, #tpu.memory_space<vmem>> -> memref<128x64xf32, #tpu.memory_space<vmem>>
      tpu.enqueue_dma source(%dma_start3A_817 : memref<128x64xf32, #tpu.memory_space<vmem>>) target(%dma_start3A_813 : memref<128x64xf32, #tpu.memory_space<hbm>>) target_semaphore(%arg18 : memref<!tpu.dma_semaphore, #tpu.memory_space<semaphore_mem>>)
      %add3A_818 = arith.constant 6 : i32
      %add3A_819 = arith.addi %mul3A_446, %add3A_818 : i32
      %sub3A_820 = arith.constant 8 : i32
      %sub3A_821 = arith.subi %add3A_819, %sub3A_820 : i32
      %mul3A_822 = arith.constant 128 : i32
      %mul3A_823 = arith.muli %sub3A_821, %mul3A_822 : i32
      %add3A_824 = arith.addi %mul3A_2, %mul3A_823 : i32
      %dma_wait3A_825 = arith.constant 6 : i32
      %dma_wait3A_826 = arith.constant 0 : i32
      %dma_wait3A_827 = arith.constant 0 : i32
      %dma_wait3A_828 = tpu.memref_slice %arg8[%dma_wait3A_825, %dma_wait3A_826, %dma_wait3A_827] : memref<8x128x64xf32, #tpu.memory_space<vmem>> -> memref<1x128x64xf32, #tpu.memory_space<vmem>>
      %dma_wait3A_829 = tpu.memref_squeeze %dma_wait3A_828 : memref<1x128x64xf32, #tpu.memory_space<vmem>> -> memref<128x64xf32, #tpu.memory_space<vmem>>
      %dma_wait3A_830 = arith.constant 0 : i32
      %dma_wait3A_831 = tpu.memref_slice %arg5[%add3A_824, %dma_wait3A_830] : memref<425984x64xf32, #tpu.memory_space<hbm>> -> memref<128x64xf32, #tpu.memory_space<hbm>>
      %dma_wait3A_832 = arith.constant 0 : i32
      %dma_wait3A_833 = tpu.memref_slice %arg5[%add3A_824, %dma_wait3A_832] : memref<425984x64xf32, #tpu.memory_space<hbm>> -> memref<128x64xf32, #tpu.memory_space<hbm>>
      %dma_wait3A_834 = arith.constant 0 : i32
      %dma_wait3A_835 = arith.constant 0 : i32
      %dma_wait3A_836 = tpu.memref_slice %arg8[%dma_wait3A_825, %dma_wait3A_834, %dma_wait3A_835] : memref<8x128x64xf32, #tpu.memory_space<vmem>> -> memref<1x128x64xf32, #tpu.memory_space<vmem>>
      %dma_wait3A_837 = tpu.memref_squeeze %dma_wait3A_836 : memref<1x128x64xf32, #tpu.memory_space<vmem>> -> memref<128x64xf32, #tpu.memory_space<vmem>>
      tpu.wait_dma2 semaphore(%arg23 : memref<!tpu.dma_semaphore, #tpu.memory_space<semaphore_mem>>) src(%dma_wait3A_837 : memref<128x64xf32, #tpu.memory_space<vmem>>) dst(%dma_wait3A_833 : memref<128x64xf32, #tpu.memory_space<hbm>>)
      %dma_start3A_838 = arith.constant 6 : i32
      %dma_start3A_839 = arith.constant 0 : i32
      %dma_start3A_840 = arith.constant 0 : i32
      %dma_start3A_841 = tpu.memref_slice %arg8[%dma_start3A_838, %dma_start3A_839, %dma_start3A_840] : memref<8x128x64xf32, #tpu.memory_space<vmem>> -> memref<1x128x64xf32, #tpu.memory_space<vmem>>
      %dma_start3A_842 = tpu.memref_squeeze %dma_start3A_841 : memref<1x128x64xf32, #tpu.memory_space<vmem>> -> memref<128x64xf32, #tpu.memory_space<vmem>>
      %dma_start3A_843 = arith.constant 0 : i32
      %dma_start3A_844 = tpu.memref_slice %arg6[%add3A_819, %dma_start3A_843] : memref<104x128xi32, #tpu.memory_space<vmem>> -> memref<1x128xi32, #tpu.memory_space<vmem>>
      %dma_start3A_845 = tpu.memref_squeeze %dma_start3A_844 : memref<1x128xi32, #tpu.memory_space<vmem>> -> memref<128xi32, #tpu.memory_space<vmem>>
      %dma_start3A_846 = arith.constant 0 : i32
      %dma_start3A_847 = arith.constant 0 : i32
      %dma_start3A_848 = tpu.memref_slice %arg4[%dma_start3A_846, %dma_start3A_847] : memref<2600000x64xf32, #tpu.memory_space<hbm>> -> memref<2600000x64xf32, #tpu.memory_space<hbm>>
      tpu.enqueue_indirect_dma source(%dma_start3A_848 : memref<2600000x64xf32, #tpu.memory_space<hbm>>) target(%dma_start3A_842 : memref<128x64xf32, #tpu.memory_space<vmem>>) offsets(%dma_start3A_845 : memref<128xi32, #tpu.memory_space<vmem>>) semaphore(%arg15 : memref<!tpu.dma_semaphore, #tpu.memory_space<semaphore_mem>>)
      %sub3A_849 = arith.constant 4 : i32
      %sub3A_850 = arith.subi %add3A_819, %sub3A_849 : i32
      %dma_wait3A_851 = arith.constant 2 : i32
      %dma_wait3A_852 = arith.constant 0 : i32
      %dma_wait3A_853 = arith.constant 0 : i32
      %dma_wait3A_854 = tpu.memref_slice %arg8[%dma_wait3A_851, %dma_wait3A_852, %dma_wait3A_853] : memref<8x128x64xf32, #tpu.memory_space<vmem>> -> memref<1x128x64xf32, #tpu.memory_space<vmem>>
      %dma_wait3A_855 = tpu.memref_squeeze %dma_wait3A_854 : memref<1x128x64xf32, #tpu.memory_space<vmem>> -> memref<128x64xf32, #tpu.memory_space<vmem>>
      %dma_wait3A_856 = arith.constant 0 : i32
      %dma_wait3A_857 = tpu.memref_slice %arg6[%sub3A_850, %dma_wait3A_856] : memref<104x128xi32, #tpu.memory_space<vmem>> -> memref<1x128xi32, #tpu.memory_space<vmem>>
      %dma_wait3A_858 = tpu.memref_squeeze %dma_wait3A_857 : memref<1x128xi32, #tpu.memory_space<vmem>> -> memref<128xi32, #tpu.memory_space<vmem>>
      %dma_wait3A_859 = arith.constant 0 : i32
      %dma_wait3A_860 = arith.constant 0 : i32
      %dma_wait3A_861 = tpu.memref_slice %arg4[%dma_wait3A_859, %dma_wait3A_860] : memref<2600000x64xf32, #tpu.memory_space<hbm>> -> memref<2600000x64xf32, #tpu.memory_space<hbm>>
      tpu.wait_indirect_dma semaphore(%arg11 : memref<!tpu.dma_semaphore, #tpu.memory_space<semaphore_mem>>) src(%dma_wait3A_861 : memref<2600000x64xf32, #tpu.memory_space<hbm>>) dst(%dma_wait3A_855 : memref<128x64xf32, #tpu.memory_space<vmem>>)
      %sub3A_862 = arith.constant 4 : i32
      %sub3A_863 = arith.subi %add3A_819, %sub3A_862 : i32
      %mul3A_864 = arith.constant 128 : i32
      %mul3A_865 = arith.muli %sub3A_863, %mul3A_864 : i32
      %add3A_866 = arith.addi %mul3A_2, %mul3A_865 : i32
      %dma_start3A_867 = arith.constant 2 : i32
      %dma_start3A_868 = arith.constant 0 : i32
      %dma_start3A_869 = arith.constant 0 : i32
      %dma_start3A_870 = tpu.memref_slice %arg8[%dma_start3A_867, %dma_start3A_868, %dma_start3A_869] : memref<8x128x64xf32, #tpu.memory_space<vmem>> -> memref<1x128x64xf32, #tpu.memory_space<vmem>>
      %dma_start3A_871 = tpu.memref_squeeze %dma_start3A_870 : memref<1x128x64xf32, #tpu.memory_space<vmem>> -> memref<128x64xf32, #tpu.memory_space<vmem>>
      %dma_start3A_872 = arith.constant 0 : i32
      %dma_start3A_873 = tpu.memref_slice %arg5[%add3A_866, %dma_start3A_872] : memref<425984x64xf32, #tpu.memory_space<hbm>> -> memref<128x64xf32, #tpu.memory_space<hbm>>
      %dma_start3A_874 = arith.constant 0 : i32
      %dma_start3A_875 = tpu.memref_slice %arg5[%add3A_866, %dma_start3A_874] : memref<425984x64xf32, #tpu.memory_space<hbm>> -> memref<128x64xf32, #tpu.memory_space<hbm>>
      %dma_start3A_876 = arith.constant 0 : i32
      %dma_start3A_877 = arith.constant 0 : i32
      %dma_start3A_878 = tpu.memref_slice %arg8[%dma_start3A_867, %dma_start3A_876, %dma_start3A_877] : memref<8x128x64xf32, #tpu.memory_space<vmem>> -> memref<1x128x64xf32, #tpu.memory_space<vmem>>
      %dma_start3A_879 = tpu.memref_squeeze %dma_start3A_878 : memref<1x128x64xf32, #tpu.memory_space<vmem>> -> memref<128x64xf32, #tpu.memory_space<vmem>>
      tpu.enqueue_dma source(%dma_start3A_879 : memref<128x64xf32, #tpu.memory_space<vmem>>) target(%dma_start3A_875 : memref<128x64xf32, #tpu.memory_space<hbm>>) target_semaphore(%arg19 : memref<!tpu.dma_semaphore, #tpu.memory_space<semaphore_mem>>)
      %add3A_880 = arith.constant 7 : i32
      %add3A_881 = arith.addi %mul3A_446, %add3A_880 : i32
      %sub3A_882 = arith.constant 8 : i32
      %sub3A_883 = arith.subi %add3A_881, %sub3A_882 : i32
      %mul3A_884 = arith.constant 128 : i32
      %mul3A_885 = arith.muli %sub3A_883, %mul3A_884 : i32
      %add3A_886 = arith.addi %mul3A_2, %mul3A_885 : i32
      %dma_wait3A_887 = arith.constant 7 : i32
      %dma_wait3A_888 = arith.constant 0 : i32
      %dma_wait3A_889 = arith.constant 0 : i32
      %dma_wait3A_890 = tpu.memref_slice %arg8[%dma_wait3A_887, %dma_wait3A_888, %dma_wait3A_889] : memref<8x128x64xf32, #tpu.memory_space<vmem>> -> memref<1x128x64xf32, #tpu.memory_space<vmem>>
      %dma_wait3A_891 = tpu.memref_squeeze %dma_wait3A_890 : memref<1x128x64xf32, #tpu.memory_space<vmem>> -> memref<128x64xf32, #tpu.memory_space<vmem>>
      %dma_wait3A_892 = arith.constant 0 : i32
      %dma_wait3A_893 = tpu.memref_slice %arg5[%add3A_886, %dma_wait3A_892] : memref<425984x64xf32, #tpu.memory_space<hbm>> -> memref<128x64xf32, #tpu.memory_space<hbm>>
      %dma_wait3A_894 = arith.constant 0 : i32
      %dma_wait3A_895 = tpu.memref_slice %arg5[%add3A_886, %dma_wait3A_894] : memref<425984x64xf32, #tpu.memory_space<hbm>> -> memref<128x64xf32, #tpu.memory_space<hbm>>
      %dma_wait3A_896 = arith.constant 0 : i32
      %dma_wait3A_897 = arith.constant 0 : i32
      %dma_wait3A_898 = tpu.memref_slice %arg8[%dma_wait3A_887, %dma_wait3A_896, %dma_wait3A_897] : memref<8x128x64xf32, #tpu.memory_space<vmem>> -> memref<1x128x64xf32, #tpu.memory_space<vmem>>
      %dma_wait3A_899 = tpu.memref_squeeze %dma_wait3A_898 : memref<1x128x64xf32, #tpu.memory_space<vmem>> -> memref<128x64xf32, #tpu.memory_space<vmem>>
      tpu.wait_dma2 semaphore(%arg24 : memref<!tpu.dma_semaphore, #tpu.memory_space<semaphore_mem>>) src(%dma_wait3A_899 : memref<128x64xf32, #tpu.memory_space<vmem>>) dst(%dma_wait3A_895 : memref<128x64xf32, #tpu.memory_space<hbm>>)
      %dma_start3A_900 = arith.constant 7 : i32
      %dma_start3A_901 = arith.constant 0 : i32
      %dma_start3A_902 = arith.constant 0 : i32
      %dma_start3A_903 = tpu.memref_slice %arg8[%dma_start3A_900, %dma_start3A_901, %dma_start3A_902] : memref<8x128x64xf32, #tpu.memory_space<vmem>> -> memref<1x128x64xf32, #tpu.memory_space<vmem>>
      %dma_start3A_904 = tpu.memref_squeeze %dma_start3A_903 : memref<1x128x64xf32, #tpu.memory_space<vmem>> -> memref<128x64xf32, #tpu.memory_space<vmem>>
      %dma_start3A_905 = arith.constant 0 : i32
      %dma_start3A_906 = tpu.memref_slice %arg6[%add3A_881, %dma_start3A_905] : memref<104x128xi32, #tpu.memory_space<vmem>> -> memref<1x128xi32, #tpu.memory_space<vmem>>
      %dma_start3A_907 = tpu.memref_squeeze %dma_start3A_906 : memref<1x128xi32, #tpu.memory_space<vmem>> -> memref<128xi32, #tpu.memory_space<vmem>>
      %dma_start3A_908 = arith.constant 0 : i32
      %dma_start3A_909 = arith.constant 0 : i32
      %dma_start3A_910 = tpu.memref_slice %arg4[%dma_start3A_908, %dma_start3A_909] : memref<2600000x64xf32, #tpu.memory_space<hbm>> -> memref<2600000x64xf32, #tpu.memory_space<hbm>>
      tpu.enqueue_indirect_dma source(%dma_start3A_910 : memref<2600000x64xf32, #tpu.memory_space<hbm>>) target(%dma_start3A_904 : memref<128x64xf32, #tpu.memory_space<vmem>>) offsets(%dma_start3A_907 : memref<128xi32, #tpu.memory_space<vmem>>) semaphore(%arg16 : memref<!tpu.dma_semaphore, #tpu.memory_space<semaphore_mem>>)
      %sub3A_911 = arith.constant 4 : i32
      %sub3A_912 = arith.subi %add3A_881, %sub3A_911 : i32
      %dma_wait3A_913 = arith.constant 3 : i32
      %dma_wait3A_914 = arith.constant 0 : i32
      %dma_wait3A_915 = arith.constant 0 : i32
      %dma_wait3A_916 = tpu.memref_slice %arg8[%dma_wait3A_913, %dma_wait3A_914, %dma_wait3A_915] : memref<8x128x64xf32, #tpu.memory_space<vmem>> -> memref<1x128x64xf32, #tpu.memory_space<vmem>>
      %dma_wait3A_917 = tpu.memref_squeeze %dma_wait3A_916 : memref<1x128x64xf32, #tpu.memory_space<vmem>> -> memref<128x64xf32, #tpu.memory_space<vmem>>
      %dma_wait3A_918 = arith.constant 0 : i32
      %dma_wait3A_919 = tpu.memref_slice %arg6[%sub3A_912, %dma_wait3A_918] : memref<104x128xi32, #tpu.memory_space<vmem>> -> memref<1x128xi32, #tpu.memory_space<vmem>>
      %dma_wait3A_920 = tpu.memref_squeeze %dma_wait3A_919 : memref<1x128xi32, #tpu.memory_space<vmem>> -> memref<128xi32, #tpu.memory_space<vmem>>
      %dma_wait3A_921 = arith.constant 0 : i32
      %dma_wait3A_922 = arith.constant 0 : i32
      %dma_wait3A_923 = tpu.memref_slice %arg4[%dma_wait3A_921, %dma_wait3A_922] : memref<2600000x64xf32, #tpu.memory_space<hbm>> -> memref<2600000x64xf32, #tpu.memory_space<hbm>>
      tpu.wait_indirect_dma semaphore(%arg12 : memref<!tpu.dma_semaphore, #tpu.memory_space<semaphore_mem>>) src(%dma_wait3A_923 : memref<2600000x64xf32, #tpu.memory_space<hbm>>) dst(%dma_wait3A_917 : memref<128x64xf32, #tpu.memory_space<vmem>>)
      %sub3A_924 = arith.constant 4 : i32
      %sub3A_925 = arith.subi %add3A_881, %sub3A_924 : i32
      %mul3A_926 = arith.constant 128 : i32
      %mul3A_927 = arith.muli %sub3A_925, %mul3A_926 : i32
      %add3A_928 = arith.addi %mul3A_2, %mul3A_927 : i32
      %dma_start3A_929 = arith.constant 3 : i32
      %dma_start3A_930 = arith.constant 0 : i32
      %dma_start3A_931 = arith.constant 0 : i32
      %dma_start3A_932 = tpu.memref_slice %arg8[%dma_start3A_929, %dma_start3A_930, %dma_start3A_931] : memref<8x128x64xf32, #tpu.memory_space<vmem>> -> memref<1x128x64xf32, #tpu.memory_space<vmem>>
      %dma_start3A_933 = tpu.memref_squeeze %dma_start3A_932 : memref<1x128x64xf32, #tpu.memory_space<vmem>> -> memref<128x64xf32, #tpu.memory_space<vmem>>
      %dma_start3A_934 = arith.constant 0 : i32
      %dma_start3A_935 = tpu.memref_slice %arg5[%add3A_928, %dma_start3A_934] : memref<425984x64xf32, #tpu.memory_space<hbm>> -> memref<128x64xf32, #tpu.memory_space<hbm>>
      %dma_start3A_936 = arith.constant 0 : i32
      %dma_start3A_937 = tpu.memref_slice %arg5[%add3A_928, %dma_start3A_936] : memref<425984x64xf32, #tpu.memory_space<hbm>> -> memref<128x64xf32, #tpu.memory_space<hbm>>
      %dma_start3A_938 = arith.constant 0 : i32
      %dma_start3A_939 = arith.constant 0 : i32
      %dma_start3A_940 = tpu.memref_slice %arg8[%dma_start3A_929, %dma_start3A_938, %dma_start3A_939] : memref<8x128x64xf32, #tpu.memory_space<vmem>> -> memref<1x128x64xf32, #tpu.memory_space<vmem>>
      %dma_start3A_941 = tpu.memref_squeeze %dma_start3A_940 : memref<1x128x64xf32, #tpu.memory_space<vmem>> -> memref<128x64xf32, #tpu.memory_space<vmem>>
      tpu.enqueue_dma source(%dma_start3A_941 : memref<128x64xf32, #tpu.memory_space<vmem>>) target(%dma_start3A_937 : memref<128x64xf32, #tpu.memory_space<hbm>>) target_semaphore(%arg20 : memref<!tpu.dma_semaphore, #tpu.memory_space<semaphore_mem>>)
    }
    %scan3A_215 = arith.constant 12 : i32
    %dma_wait3A_216 = arith.constant 100 : i32
    %dma_wait3A_217 = arith.constant 4 : i32
    %dma_wait3A_218 = arith.constant 0 : i32
    %dma_wait3A_219 = arith.constant 0 : i32
    %dma_wait3A_220 = tpu.memref_slice %arg8[%dma_wait3A_217, %dma_wait3A_218, %dma_wait3A_219] : memref<8x128x64xf32, #tpu.memory_space<vmem>> -> memref<1x128x64xf32, #tpu.memory_space<vmem>>
    %dma_wait3A_221 = tpu.memref_squeeze %dma_wait3A_220 : memref<1x128x64xf32, #tpu.memory_space<vmem>> -> memref<128x64xf32, #tpu.memory_space<vmem>>
    %dma_wait3A_222 = arith.constant 0 : i32
    %dma_wait3A_223 = tpu.memref_slice %arg6[%dma_wait3A_216, %dma_wait3A_222] : memref<104x128xi32, #tpu.memory_space<vmem>> -> memref<1x128xi32, #tpu.memory_space<vmem>>
    %dma_wait3A_224 = tpu.memref_squeeze %dma_wait3A_223 : memref<1x128xi32, #tpu.memory_space<vmem>> -> memref<128xi32, #tpu.memory_space<vmem>>
    %dma_wait3A_225 = arith.constant 0 : i32
    %dma_wait3A_226 = arith.constant 0 : i32
    %dma_wait3A_227 = tpu.memref_slice %arg4[%dma_wait3A_225, %dma_wait3A_226] : memref<2600000x64xf32, #tpu.memory_space<hbm>> -> memref<2600000x64xf32, #tpu.memory_space<hbm>>
    tpu.wait_indirect_dma semaphore(%arg13 : memref<!tpu.dma_semaphore, #tpu.memory_space<semaphore_mem>>) src(%dma_wait3A_227 : memref<2600000x64xf32, #tpu.memory_space<hbm>>) dst(%dma_wait3A_221 : memref<128x64xf32, #tpu.memory_space<vmem>>)
    %add3A_228 = arith.constant 12800 : i32
    %add3A_229 = arith.addi %mul3A_2, %add3A_228 : i32
    %dma_start3A_230 = arith.constant 4 : i32
    %dma_start3A_231 = arith.constant 0 : i32
    %dma_start3A_232 = arith.constant 0 : i32
    %dma_start3A_233 = tpu.memref_slice %arg8[%dma_start3A_230, %dma_start3A_231, %dma_start3A_232] : memref<8x128x64xf32, #tpu.memory_space<vmem>> -> memref<1x128x64xf32, #tpu.memory_space<vmem>>
    %dma_start3A_234 = tpu.memref_squeeze %dma_start3A_233 : memref<1x128x64xf32, #tpu.memory_space<vmem>> -> memref<128x64xf32, #tpu.memory_space<vmem>>
    %dma_start3A_235 = arith.constant 0 : i32
    %dma_start3A_236 = tpu.memref_slice %arg5[%add3A_229, %dma_start3A_235] : memref<425984x64xf32, #tpu.memory_space<hbm>> -> memref<128x64xf32, #tpu.memory_space<hbm>>
    %dma_start3A_237 = arith.constant 0 : i32
    %dma_start3A_238 = tpu.memref_slice %arg5[%add3A_229, %dma_start3A_237] : memref<425984x64xf32, #tpu.memory_space<hbm>> -> memref<128x64xf32, #tpu.memory_space<hbm>>
    %dma_start3A_239 = arith.constant 0 : i32
    %dma_start3A_240 = arith.constant 0 : i32
    %dma_start3A_241 = tpu.memref_slice %arg8[%dma_start3A_230, %dma_start3A_239, %dma_start3A_240] : memref<8x128x64xf32, #tpu.memory_space<vmem>> -> memref<1x128x64xf32, #tpu.memory_space<vmem>>
    %dma_start3A_242 = tpu.memref_squeeze %dma_start3A_241 : memref<1x128x64xf32, #tpu.memory_space<vmem>> -> memref<128x64xf32, #tpu.memory_space<vmem>>
    tpu.enqueue_dma source(%dma_start3A_242 : memref<128x64xf32, #tpu.memory_space<vmem>>) target(%dma_start3A_238 : memref<128x64xf32, #tpu.memory_space<hbm>>) target_semaphore(%arg21 : memref<!tpu.dma_semaphore, #tpu.memory_space<semaphore_mem>>)
    %dma_wait3A_243 = arith.constant 101 : i32
    %dma_wait3A_244 = arith.constant 5 : i32
    %dma_wait3A_245 = arith.constant 0 : i32
    %dma_wait3A_246 = arith.constant 0 : i32
    %dma_wait3A_247 = tpu.memref_slice %arg8[%dma_wait3A_244, %dma_wait3A_245, %dma_wait3A_246] : memref<8x128x64xf32, #tpu.memory_space<vmem>> -> memref<1x128x64xf32, #tpu.memory_space<vmem>>
    %dma_wait3A_248 = tpu.memref_squeeze %dma_wait3A_247 : memref<1x128x64xf32, #tpu.memory_space<vmem>> -> memref<128x64xf32, #tpu.memory_space<vmem>>
    %dma_wait3A_249 = arith.constant 0 : i32
    %dma_wait3A_250 = tpu.memref_slice %arg6[%dma_wait3A_243, %dma_wait3A_249] : memref<104x128xi32, #tpu.memory_space<vmem>> -> memref<1x128xi32, #tpu.memory_space<vmem>>
    %dma_wait3A_251 = tpu.memref_squeeze %dma_wait3A_250 : memref<1x128xi32, #tpu.memory_space<vmem>> -> memref<128xi32, #tpu.memory_space<vmem>>
    %dma_wait3A_252 = arith.constant 0 : i32
    %dma_wait3A_253 = arith.constant 0 : i32
    %dma_wait3A_254 = tpu.memref_slice %arg4[%dma_wait3A_252, %dma_wait3A_253] : memref<2600000x64xf32, #tpu.memory_space<hbm>> -> memref<2600000x64xf32, #tpu.memory_space<hbm>>
    tpu.wait_indirect_dma semaphore(%arg14 : memref<!tpu.dma_semaphore, #tpu.memory_space<semaphore_mem>>) src(%dma_wait3A_254 : memref<2600000x64xf32, #tpu.memory_space<hbm>>) dst(%dma_wait3A_248 : memref<128x64xf32, #tpu.memory_space<vmem>>)
    %add3A_255 = arith.constant 12928 : i32
    %add3A_256 = arith.addi %mul3A_2, %add3A_255 : i32
    %dma_start3A_257 = arith.constant 5 : i32
    %dma_start3A_258 = arith.constant 0 : i32
    %dma_start3A_259 = arith.constant 0 : i32
    %dma_start3A_260 = tpu.memref_slice %arg8[%dma_start3A_257, %dma_start3A_258, %dma_start3A_259] : memref<8x128x64xf32, #tpu.memory_space<vmem>> -> memref<1x128x64xf32, #tpu.memory_space<vmem>>
    %dma_start3A_261 = tpu.memref_squeeze %dma_start3A_260 : memref<1x128x64xf32, #tpu.memory_space<vmem>> -> memref<128x64xf32, #tpu.memory_space<vmem>>
    %dma_start3A_262 = arith.constant 0 : i32
    %dma_start3A_263 = tpu.memref_slice %arg5[%add3A_256, %dma_start3A_262] : memref<425984x64xf32, #tpu.memory_space<hbm>> -> memref<128x64xf32, #tpu.memory_space<hbm>>
    %dma_start3A_264 = arith.constant 0 : i32
    %dma_start3A_265 = tpu.memref_slice %arg5[%add3A_256, %dma_start3A_264] : memref<425984x64xf32, #tpu.memory_space<hbm>> -> memref<128x64xf32, #tpu.memory_space<hbm>>
    %dma_start3A_266 = arith.constant 0 : i32
    %dma_start3A_267 = arith.constant 0 : i32
    %dma_start3A_268 = tpu.memref_slice %arg8[%dma_start3A_257, %dma_start3A_266, %dma_start3A_267] : memref<8x128x64xf32, #tpu.memory_space<vmem>> -> memref<1x128x64xf32, #tpu.memory_space<vmem>>
    %dma_start3A_269 = tpu.memref_squeeze %dma_start3A_268 : memref<1x128x64xf32, #tpu.memory_space<vmem>> -> memref<128x64xf32, #tpu.memory_space<vmem>>
    tpu.enqueue_dma source(%dma_start3A_269 : memref<128x64xf32, #tpu.memory_space<vmem>>) target(%dma_start3A_265 : memref<128x64xf32, #tpu.memory_space<hbm>>) target_semaphore(%arg22 : memref<!tpu.dma_semaphore, #tpu.memory_space<semaphore_mem>>)
    %dma_wait3A_270 = arith.constant 102 : i32
    %dma_wait3A_271 = arith.constant 6 : i32
    %dma_wait3A_272 = arith.constant 0 : i32
    %dma_wait3A_273 = arith.constant 0 : i32
    %dma_wait3A_274 = tpu.memref_slice %arg8[%dma_wait3A_271, %dma_wait3A_272, %dma_wait3A_273] : memref<8x128x64xf32, #tpu.memory_space<vmem>> -> memref<1x128x64xf32, #tpu.memory_space<vmem>>
    %dma_wait3A_275 = tpu.memref_squeeze %dma_wait3A_274 : memref<1x128x64xf32, #tpu.memory_space<vmem>> -> memref<128x64xf32, #tpu.memory_space<vmem>>
    %dma_wait3A_276 = arith.constant 0 : i32
    %dma_wait3A_277 = tpu.memref_slice %arg6[%dma_wait3A_270, %dma_wait3A_276] : memref<104x128xi32, #tpu.memory_space<vmem>> -> memref<1x128xi32, #tpu.memory_space<vmem>>
    %dma_wait3A_278 = tpu.memref_squeeze %dma_wait3A_277 : memref<1x128xi32, #tpu.memory_space<vmem>> -> memref<128xi32, #tpu.memory_space<vmem>>
    %dma_wait3A_279 = arith.constant 0 : i32
    %dma_wait3A_280 = arith.constant 0 : i32
    %dma_wait3A_281 = tpu.memref_slice %arg4[%dma_wait3A_279, %dma_wait3A_280] : memref<2600000x64xf32, #tpu.memory_space<hbm>> -> memref<2600000x64xf32, #tpu.memory_space<hbm>>
    tpu.wait_indirect_dma semaphore(%arg15 : memref<!tpu.dma_semaphore, #tpu.memory_space<semaphore_mem>>) src(%dma_wait3A_281 : memref<2600000x64xf32, #tpu.memory_space<hbm>>) dst(%dma_wait3A_275 : memref<128x64xf32, #tpu.memory_space<vmem>>)
    %add3A_282 = arith.constant 13056 : i32
    %add3A_283 = arith.addi %mul3A_2, %add3A_282 : i32
    %dma_start3A_284 = arith.constant 6 : i32
    %dma_start3A_285 = arith.constant 0 : i32
    %dma_start3A_286 = arith.constant 0 : i32
    %dma_start3A_287 = tpu.memref_slice %arg8[%dma_start3A_284, %dma_start3A_285, %dma_start3A_286] : memref<8x128x64xf32, #tpu.memory_space<vmem>> -> memref<1x128x64xf32, #tpu.memory_space<vmem>>
    %dma_start3A_288 = tpu.memref_squeeze %dma_start3A_287 : memref<1x128x64xf32, #tpu.memory_space<vmem>> -> memref<128x64xf32, #tpu.memory_space<vmem>>
    %dma_start3A_289 = arith.constant 0 : i32
    %dma_start3A_290 = tpu.memref_slice %arg5[%add3A_283, %dma_start3A_289] : memref<425984x64xf32, #tpu.memory_space<hbm>> -> memref<128x64xf32, #tpu.memory_space<hbm>>
    %dma_start3A_291 = arith.constant 0 : i32
    %dma_start3A_292 = tpu.memref_slice %arg5[%add3A_283, %dma_start3A_291] : memref<425984x64xf32, #tpu.memory_space<hbm>> -> memref<128x64xf32, #tpu.memory_space<hbm>>
    %dma_start3A_293 = arith.constant 0 : i32
    %dma_start3A_294 = arith.constant 0 : i32
    %dma_start3A_295 = tpu.memref_slice %arg8[%dma_start3A_284, %dma_start3A_293, %dma_start3A_294] : memref<8x128x64xf32, #tpu.memory_space<vmem>> -> memref<1x128x64xf32, #tpu.memory_space<vmem>>
    %dma_start3A_296 = tpu.memref_squeeze %dma_start3A_295 : memref<1x128x64xf32, #tpu.memory_space<vmem>> -> memref<128x64xf32, #tpu.memory_space<vmem>>
    tpu.enqueue_dma source(%dma_start3A_296 : memref<128x64xf32, #tpu.memory_space<vmem>>) target(%dma_start3A_292 : memref<128x64xf32, #tpu.memory_space<hbm>>) target_semaphore(%arg23 : memref<!tpu.dma_semaphore, #tpu.memory_space<semaphore_mem>>)
    %dma_wait3A_297 = arith.constant 103 : i32
    %dma_wait3A_298 = arith.constant 7 : i32
    %dma_wait3A_299 = arith.constant 0 : i32
    %dma_wait3A_300 = arith.constant 0 : i32
    %dma_wait3A_301 = tpu.memref_slice %arg8[%dma_wait3A_298, %dma_wait3A_299, %dma_wait3A_300] : memref<8x128x64xf32, #tpu.memory_space<vmem>> -> memref<1x128x64xf32, #tpu.memory_space<vmem>>
    %dma_wait3A_302 = tpu.memref_squeeze %dma_wait3A_301 : memref<1x128x64xf32, #tpu.memory_space<vmem>> -> memref<128x64xf32, #tpu.memory_space<vmem>>
    %dma_wait3A_303 = arith.constant 0 : i32
    %dma_wait3A_304 = tpu.memref_slice %arg6[%dma_wait3A_297, %dma_wait3A_303] : memref<104x128xi32, #tpu.memory_space<vmem>> -> memref<1x128xi32, #tpu.memory_space<vmem>>
    %dma_wait3A_305 = tpu.memref_squeeze %dma_wait3A_304 : memref<1x128xi32, #tpu.memory_space<vmem>> -> memref<128xi32, #tpu.memory_space<vmem>>
    %dma_wait3A_306 = arith.constant 0 : i32
    %dma_wait3A_307 = arith.constant 0 : i32
    %dma_wait3A_308 = tpu.memref_slice %arg4[%dma_wait3A_306, %dma_wait3A_307] : memref<2600000x64xf32, #tpu.memory_space<hbm>> -> memref<2600000x64xf32, #tpu.memory_space<hbm>>
    tpu.wait_indirect_dma semaphore(%arg16 : memref<!tpu.dma_semaphore, #tpu.memory_space<semaphore_mem>>) src(%dma_wait3A_308 : memref<2600000x64xf32, #tpu.memory_space<hbm>>) dst(%dma_wait3A_302 : memref<128x64xf32, #tpu.memory_space<vmem>>)
    %add3A_309 = arith.constant 13184 : i32
    %add3A_310 = arith.addi %mul3A_2, %add3A_309 : i32
    %dma_start3A_311 = arith.constant 7 : i32
    %dma_start3A_312 = arith.constant 0 : i32
    %dma_start3A_313 = arith.constant 0 : i32
    %dma_start3A_314 = tpu.memref_slice %arg8[%dma_start3A_311, %dma_start3A_312, %dma_start3A_313] : memref<8x128x64xf32, #tpu.memory_space<vmem>> -> memref<1x128x64xf32, #tpu.memory_space<vmem>>
    %dma_start3A_315 = tpu.memref_squeeze %dma_start3A_314 : memref<1x128x64xf32, #tpu.memory_space<vmem>> -> memref<128x64xf32, #tpu.memory_space<vmem>>
    %dma_start3A_316 = arith.constant 0 : i32
    %dma_start3A_317 = tpu.memref_slice %arg5[%add3A_310, %dma_start3A_316] : memref<425984x64xf32, #tpu.memory_space<hbm>> -> memref<128x64xf32, #tpu.memory_space<hbm>>
    %dma_start3A_318 = arith.constant 0 : i32
    %dma_start3A_319 = tpu.memref_slice %arg5[%add3A_310, %dma_start3A_318] : memref<425984x64xf32, #tpu.memory_space<hbm>> -> memref<128x64xf32, #tpu.memory_space<hbm>>
    %dma_start3A_320 = arith.constant 0 : i32
    %dma_start3A_321 = arith.constant 0 : i32
    %dma_start3A_322 = tpu.memref_slice %arg8[%dma_start3A_311, %dma_start3A_320, %dma_start3A_321] : memref<8x128x64xf32, #tpu.memory_space<vmem>> -> memref<1x128x64xf32, #tpu.memory_space<vmem>>
    %dma_start3A_323 = tpu.memref_squeeze %dma_start3A_322 : memref<1x128x64xf32, #tpu.memory_space<vmem>> -> memref<128x64xf32, #tpu.memory_space<vmem>>
    tpu.enqueue_dma source(%dma_start3A_323 : memref<128x64xf32, #tpu.memory_space<vmem>>) target(%dma_start3A_319 : memref<128x64xf32, #tpu.memory_space<hbm>>) target_semaphore(%arg24 : memref<!tpu.dma_semaphore, #tpu.memory_space<semaphore_mem>>)
    %add3A_324 = arith.constant 12288 : i32
    %add3A_325 = arith.addi %mul3A_2, %add3A_324 : i32
    %dma_wait3A_326 = arith.constant 0 : i32
    %dma_wait3A_327 = arith.constant 0 : i32
    %dma_wait3A_328 = arith.constant 0 : i32
    %dma_wait3A_329 = tpu.memref_slice %arg8[%dma_wait3A_326, %dma_wait3A_327, %dma_wait3A_328] : memref<8x128x64xf32, #tpu.memory_space<vmem>> -> memref<1x128x64xf32, #tpu.memory_space<vmem>>
    %dma_wait3A_330 = tpu.memref_squeeze %dma_wait3A_329 : memref<1x128x64xf32, #tpu.memory_space<vmem>> -> memref<128x64xf32, #tpu.memory_space<vmem>>
    %dma_wait3A_331 = arith.constant 0 : i32
    %dma_wait3A_332 = tpu.memref_slice %arg5[%add3A_325, %dma_wait3A_331] : memref<425984x64xf32, #tpu.memory_space<hbm>> -> memref<128x64xf32, #tpu.memory_space<hbm>>
    %dma_wait3A_333 = arith.constant 0 : i32
    %dma_wait3A_334 = tpu.memref_slice %arg5[%add3A_325, %dma_wait3A_333] : memref<425984x64xf32, #tpu.memory_space<hbm>> -> memref<128x64xf32, #tpu.memory_space<hbm>>
    %dma_wait3A_335 = arith.constant 0 : i32
    %dma_wait3A_336 = arith.constant 0 : i32
    %dma_wait3A_337 = tpu.memref_slice %arg8[%dma_wait3A_326, %dma_wait3A_335, %dma_wait3A_336] : memref<8x128x64xf32, #tpu.memory_space<vmem>> -> memref<1x128x64xf32, #tpu.memory_space<vmem>>
    %dma_wait3A_338 = tpu.memref_squeeze %dma_wait3A_337 : memref<1x128x64xf32, #tpu.memory_space<vmem>> -> memref<128x64xf32, #tpu.memory_space<vmem>>
    tpu.wait_dma2 semaphore(%arg17 : memref<!tpu.dma_semaphore, #tpu.memory_space<semaphore_mem>>) src(%dma_wait3A_338 : memref<128x64xf32, #tpu.memory_space<vmem>>) dst(%dma_wait3A_334 : memref<128x64xf32, #tpu.memory_space<hbm>>)
    %add3A_339 = arith.constant 12416 : i32
    %add3A_340 = arith.addi %mul3A_2, %add3A_339 : i32
    %dma_wait3A_341 = arith.constant 1 : i32
    %dma_wait3A_342 = arith.constant 0 : i32
    %dma_wait3A_343 = arith.constant 0 : i32
    %dma_wait3A_344 = tpu.memref_slice %arg8[%dma_wait3A_341, %dma_wait3A_342, %dma_wait3A_343] : memref<8x128x64xf32, #tpu.memory_space<vmem>> -> memref<1x128x64xf32, #tpu.memory_space<vmem>>
    %dma_wait3A_345 = tpu.memref_squeeze %dma_wait3A_344 : memref<1x128x64xf32, #tpu.memory_space<vmem>> -> memref<128x64xf32, #tpu.memory_space<vmem>>
    %dma_wait3A_346 = arith.constant 0 : i32
    %dma_wait3A_347 = tpu.memref_slice %arg5[%add3A_340, %dma_wait3A_346] : memref<425984x64xf32, #tpu.memory_space<hbm>> -> memref<128x64xf32, #tpu.memory_space<hbm>>
    %dma_wait3A_348 = arith.constant 0 : i32
    %dma_wait3A_349 = tpu.memref_slice %arg5[%add3A_340, %dma_wait3A_348] : memref<425984x64xf32, #tpu.memory_space<hbm>> -> memref<128x64xf32, #tpu.memory_space<hbm>>
    %dma_wait3A_350 = arith.constant 0 : i32
    %dma_wait3A_351 = arith.constant 0 : i32
    %dma_wait3A_352 = tpu.memref_slice %arg8[%dma_wait3A_341, %dma_wait3A_350, %dma_wait3A_351] : memref<8x128x64xf32, #tpu.memory_space<vmem>> -> memref<1x128x64xf32, #tpu.memory_space<vmem>>
    %dma_wait3A_353 = tpu.memref_squeeze %dma_wait3A_352 : memref<1x128x64xf32, #tpu.memory_space<vmem>> -> memref<128x64xf32, #tpu.memory_space<vmem>>
    tpu.wait_dma2 semaphore(%arg18 : memref<!tpu.dma_semaphore, #tpu.memory_space<semaphore_mem>>) src(%dma_wait3A_353 : memref<128x64xf32, #tpu.memory_space<vmem>>) dst(%dma_wait3A_349 : memref<128x64xf32, #tpu.memory_space<hbm>>)
    %add3A_354 = arith.constant 12544 : i32
    %add3A_355 = arith.addi %mul3A_2, %add3A_354 : i32
    %dma_wait3A_356 = arith.constant 2 : i32
    %dma_wait3A_357 = arith.constant 0 : i32
    %dma_wait3A_358 = arith.constant 0 : i32
    %dma_wait3A_359 = tpu.memref_slice %arg8[%dma_wait3A_356, %dma_wait3A_357, %dma_wait3A_358] : memref<8x128x64xf32, #tpu.memory_space<vmem>> -> memref<1x128x64xf32, #tpu.memory_space<vmem>>
    %dma_wait3A_360 = tpu.memref_squeeze %dma_wait3A_359 : memref<1x128x64xf32, #tpu.memory_space<vmem>> -> memref<128x64xf32, #tpu.memory_space<vmem>>
    %dma_wait3A_361 = arith.constant 0 : i32
    %dma_wait3A_362 = tpu.memref_slice %arg5[%add3A_355, %dma_wait3A_361] : memref<425984x64xf32, #tpu.memory_space<hbm>> -> memref<128x64xf32, #tpu.memory_space<hbm>>
    %dma_wait3A_363 = arith.constant 0 : i32
    %dma_wait3A_364 = tpu.memref_slice %arg5[%add3A_355, %dma_wait3A_363] : memref<425984x64xf32, #tpu.memory_space<hbm>> -> memref<128x64xf32, #tpu.memory_space<hbm>>
    %dma_wait3A_365 = arith.constant 0 : i32
    %dma_wait3A_366 = arith.constant 0 : i32
    %dma_wait3A_367 = tpu.memref_slice %arg8[%dma_wait3A_356, %dma_wait3A_365, %dma_wait3A_366] : memref<8x128x64xf32, #tpu.memory_space<vmem>> -> memref<1x128x64xf32, #tpu.memory_space<vmem>>
    %dma_wait3A_368 = tpu.memref_squeeze %dma_wait3A_367 : memref<1x128x64xf32, #tpu.memory_space<vmem>> -> memref<128x64xf32, #tpu.memory_space<vmem>>
    tpu.wait_dma2 semaphore(%arg19 : memref<!tpu.dma_semaphore, #tpu.memory_space<semaphore_mem>>) src(%dma_wait3A_368 : memref<128x64xf32, #tpu.memory_space<vmem>>) dst(%dma_wait3A_364 : memref<128x64xf32, #tpu.memory_space<hbm>>)
    %add3A_369 = arith.constant 12672 : i32
    %add3A_370 = arith.addi %mul3A_2, %add3A_369 : i32
    %dma_wait3A_371 = arith.constant 3 : i32
    %dma_wait3A_372 = arith.constant 0 : i32
    %dma_wait3A_373 = arith.constant 0 : i32
    %dma_wait3A_374 = tpu.memref_slice %arg8[%dma_wait3A_371, %dma_wait3A_372, %dma_wait3A_373] : memref<8x128x64xf32, #tpu.memory_space<vmem>> -> memref<1x128x64xf32, #tpu.memory_space<vmem>>
    %dma_wait3A_375 = tpu.memref_squeeze %dma_wait3A_374 : memref<1x128x64xf32, #tpu.memory_space<vmem>> -> memref<128x64xf32, #tpu.memory_space<vmem>>
    %dma_wait3A_376 = arith.constant 0 : i32
    %dma_wait3A_377 = tpu.memref_slice %arg5[%add3A_370, %dma_wait3A_376] : memref<425984x64xf32, #tpu.memory_space<hbm>> -> memref<128x64xf32, #tpu.memory_space<hbm>>
    %dma_wait3A_378 = arith.constant 0 : i32
    %dma_wait3A_379 = tpu.memref_slice %arg5[%add3A_370, %dma_wait3A_378] : memref<425984x64xf32, #tpu.memory_space<hbm>> -> memref<128x64xf32, #tpu.memory_space<hbm>>
    %dma_wait3A_380 = arith.constant 0 : i32
    %dma_wait3A_381 = arith.constant 0 : i32
    %dma_wait3A_382 = tpu.memref_slice %arg8[%dma_wait3A_371, %dma_wait3A_380, %dma_wait3A_381] : memref<8x128x64xf32, #tpu.memory_space<vmem>> -> memref<1x128x64xf32, #tpu.memory_space<vmem>>
    %dma_wait3A_383 = tpu.memref_squeeze %dma_wait3A_382 : memref<1x128x64xf32, #tpu.memory_space<vmem>> -> memref<128x64xf32, #tpu.memory_space<vmem>>
    tpu.wait_dma2 semaphore(%arg20 : memref<!tpu.dma_semaphore, #tpu.memory_space<semaphore_mem>>) src(%dma_wait3A_383 : memref<128x64xf32, #tpu.memory_space<vmem>>) dst(%dma_wait3A_379 : memref<128x64xf32, #tpu.memory_space<hbm>>)
    %add3A_384 = arith.constant 12800 : i32
    %add3A_385 = arith.addi %mul3A_2, %add3A_384 : i32
    %dma_wait3A_386 = arith.constant 4 : i32
    %dma_wait3A_387 = arith.constant 0 : i32
    %dma_wait3A_388 = arith.constant 0 : i32
    %dma_wait3A_389 = tpu.memref_slice %arg8[%dma_wait3A_386, %dma_wait3A_387, %dma_wait3A_388] : memref<8x128x64xf32, #tpu.memory_space<vmem>> -> memref<1x128x64xf32, #tpu.memory_space<vmem>>
    %dma_wait3A_390 = tpu.memref_squeeze %dma_wait3A_389 : memref<1x128x64xf32, #tpu.memory_space<vmem>> -> memref<128x64xf32, #tpu.memory_space<vmem>>
    %dma_wait3A_391 = arith.constant 0 : i32
    %dma_wait3A_392 = tpu.memref_slice %arg5[%add3A_385, %dma_wait3A_391] : memref<425984x64xf32, #tpu.memory_space<hbm>> -> memref<128x64xf32, #tpu.memory_space<hbm>>
    %dma_wait3A_393 = arith.constant 0 : i32
    %dma_wait3A_394 = tpu.memref_slice %arg5[%add3A_385, %dma_wait3A_393] : memref<425984x64xf32, #tpu.memory_space<hbm>> -> memref<128x64xf32, #tpu.memory_space<hbm>>
    %dma_wait3A_395 = arith.constant 0 : i32
    %dma_wait3A_396 = arith.constant 0 : i32
    %dma_wait3A_397 = tpu.memref_slice %arg8[%dma_wait3A_386, %dma_wait3A_395, %dma_wait3A_396] : memref<8x128x64xf32, #tpu.memory_space<vmem>> -> memref<1x128x64xf32, #tpu.memory_space<vmem>>
    %dma_wait3A_398 = tpu.memref_squeeze %dma_wait3A_397 : memref<1x128x64xf32, #tpu.memory_space<vmem>> -> memref<128x64xf32, #tpu.memory_space<vmem>>
    tpu.wait_dma2 semaphore(%arg21 : memref<!tpu.dma_semaphore, #tpu.memory_space<semaphore_mem>>) src(%dma_wait3A_398 : memref<128x64xf32, #tpu.memory_space<vmem>>) dst(%dma_wait3A_394 : memref<128x64xf32, #tpu.memory_space<hbm>>)
    %add3A_399 = arith.constant 12928 : i32
    %add3A_400 = arith.addi %mul3A_2, %add3A_399 : i32
    %dma_wait3A_401 = arith.constant 5 : i32
    %dma_wait3A_402 = arith.constant 0 : i32
    %dma_wait3A_403 = arith.constant 0 : i32
    %dma_wait3A_404 = tpu.memref_slice %arg8[%dma_wait3A_401, %dma_wait3A_402, %dma_wait3A_403] : memref<8x128x64xf32, #tpu.memory_space<vmem>> -> memref<1x128x64xf32, #tpu.memory_space<vmem>>
    %dma_wait3A_405 = tpu.memref_squeeze %dma_wait3A_404 : memref<1x128x64xf32, #tpu.memory_space<vmem>> -> memref<128x64xf32, #tpu.memory_space<vmem>>
    %dma_wait3A_406 = arith.constant 0 : i32
    %dma_wait3A_407 = tpu.memref_slice %arg5[%add3A_400, %dma_wait3A_406] : memref<425984x64xf32, #tpu.memory_space<hbm>> -> memref<128x64xf32, #tpu.memory_space<hbm>>
    %dma_wait3A_408 = arith.constant 0 : i32
    %dma_wait3A_409 = tpu.memref_slice %arg5[%add3A_400, %dma_wait3A_408] : memref<425984x64xf32, #tpu.memory_space<hbm>> -> memref<128x64xf32, #tpu.memory_space<hbm>>
    %dma_wait3A_410 = arith.constant 0 : i32
    %dma_wait3A_411 = arith.constant 0 : i32
    %dma_wait3A_412 = tpu.memref_slice %arg8[%dma_wait3A_401, %dma_wait3A_410, %dma_wait3A_411] : memref<8x128x64xf32, #tpu.memory_space<vmem>> -> memref<1x128x64xf32, #tpu.memory_space<vmem>>
    %dma_wait3A_413 = tpu.memref_squeeze %dma_wait3A_412 : memref<1x128x64xf32, #tpu.memory_space<vmem>> -> memref<128x64xf32, #tpu.memory_space<vmem>>
    tpu.wait_dma2 semaphore(%arg22 : memref<!tpu.dma_semaphore, #tpu.memory_space<semaphore_mem>>) src(%dma_wait3A_413 : memref<128x64xf32, #tpu.memory_space<vmem>>) dst(%dma_wait3A_409 : memref<128x64xf32, #tpu.memory_space<hbm>>)
    %add3A_414 = arith.constant 13056 : i32
    %add3A_415 = arith.addi %mul3A_2, %add3A_414 : i32
    %dma_wait3A_416 = arith.constant 6 : i32
    %dma_wait3A_417 = arith.constant 0 : i32
    %dma_wait3A_418 = arith.constant 0 : i32
    %dma_wait3A_419 = tpu.memref_slice %arg8[%dma_wait3A_416, %dma_wait3A_417, %dma_wait3A_418] : memref<8x128x64xf32, #tpu.memory_space<vmem>> -> memref<1x128x64xf32, #tpu.memory_space<vmem>>
    %dma_wait3A_420 = tpu.memref_squeeze %dma_wait3A_419 : memref<1x128x64xf32, #tpu.memory_space<vmem>> -> memref<128x64xf32, #tpu.memory_space<vmem>>
    %dma_wait3A_421 = arith.constant 0 : i32
    %dma_wait3A_422 = tpu.memref_slice %arg5[%add3A_415, %dma_wait3A_421] : memref<425984x64xf32, #tpu.memory_space<hbm>> -> memref<128x64xf32, #tpu.memory_space<hbm>>
    %dma_wait3A_423 = arith.constant 0 : i32
    %dma_wait3A_424 = tpu.memref_slice %arg5[%add3A_415, %dma_wait3A_423] : memref<425984x64xf32, #tpu.memory_space<hbm>> -> memref<128x64xf32, #tpu.memory_space<hbm>>
    %dma_wait3A_425 = arith.constant 0 : i32
    %dma_wait3A_426 = arith.constant 0 : i32
    %dma_wait3A_427 = tpu.memref_slice %arg8[%dma_wait3A_416, %dma_wait3A_425, %dma_wait3A_426] : memref<8x128x64xf32, #tpu.memory_space<vmem>> -> memref<1x128x64xf32, #tpu.memory_space<vmem>>
    %dma_wait3A_428 = tpu.memref_squeeze %dma_wait3A_427 : memref<1x128x64xf32, #tpu.memory_space<vmem>> -> memref<128x64xf32, #tpu.memory_space<vmem>>
    tpu.wait_dma2 semaphore(%arg23 : memref<!tpu.dma_semaphore, #tpu.memory_space<semaphore_mem>>) src(%dma_wait3A_428 : memref<128x64xf32, #tpu.memory_space<vmem>>) dst(%dma_wait3A_424 : memref<128x64xf32, #tpu.memory_space<hbm>>)
    %add3A_429 = arith.constant 13184 : i32
    %add3A_430 = arith.addi %mul3A_2, %add3A_429 : i32
    %dma_wait3A_431 = arith.constant 7 : i32
    %dma_wait3A_432 = arith.constant 0 : i32
    %dma_wait3A_433 = arith.constant 0 : i32
    %dma_wait3A_434 = tpu.memref_slice %arg8[%dma_wait3A_431, %dma_wait3A_432, %dma_wait3A_433] : memref<8x128x64xf32, #tpu.memory_space<vmem>> -> memref<1x128x64xf32, #tpu.memory_space<vmem>>
    %dma_wait3A_435 = tpu.memref_squeeze %dma_wait3A_434 : memref<1x128x64xf32, #tpu.memory_space<vmem>> -> memref<128x64xf32, #tpu.memory_space<vmem>>
    %dma_wait3A_436 = arith.constant 0 : i32
    %dma_wait3A_437 = tpu.memref_slice %arg5[%add3A_430, %dma_wait3A_436] : memref<425984x64xf32, #tpu.memory_space<hbm>> -> memref<128x64xf32, #tpu.memory_space<hbm>>
    %dma_wait3A_438 = arith.constant 0 : i32
    %dma_wait3A_439 = tpu.memref_slice %arg5[%add3A_430, %dma_wait3A_438] : memref<425984x64xf32, #tpu.memory_space<hbm>> -> memref<128x64xf32, #tpu.memory_space<hbm>>
    %dma_wait3A_440 = arith.constant 0 : i32
    %dma_wait3A_441 = arith.constant 0 : i32
    %dma_wait3A_442 = tpu.memref_slice %arg8[%dma_wait3A_431, %dma_wait3A_440, %dma_wait3A_441] : memref<8x128x64xf32, #tpu.memory_space<vmem>> -> memref<1x128x64xf32, #tpu.memory_space<vmem>>
    %dma_wait3A_443 = tpu.memref_squeeze %dma_wait3A_442 : memref<1x128x64xf32, #tpu.memory_space<vmem>> -> memref<128x64xf32, #tpu.memory_space<vmem>>
    tpu.wait_dma2 semaphore(%arg24 : memref<!tpu.dma_semaphore, #tpu.memory_space<semaphore_mem>>) src(%dma_wait3A_443 : memref<128x64xf32, #tpu.memory_space<vmem>>) dst(%dma_wait3A_439 : memref<128x64xf32, #tpu.memory_space<hbm>>)
    return
  }
}

</mosaic_0001>

<sc_bundles>
// kernel: kernel.3.cloned.1.call-start
scs
__scs_entry_jumppad:
0x0: {  	(pc) =	sbr.rel $0x88, $3  }
0x1: {  	(tag) =	ssettag $0x0;
	lr =	simm.s32 $0x1  }
0x2: {  	[smem:$0x3F9F] =	sst lr;
	_ =	strace $0xD0000000  }
0x3: {  	_ = 	snop  }
0x4: {  	_ = 	snop  }
0x5: {  	_ = 	snop  }
0x6: {  	_ = 	snop  }
0x7: {  	_ = 	snop  }
__scs_overlays_trampoline_lowered:
0x8: {  	[smem:$0x3FAE] =	sst s0  }
0x9: {  	[smem:$0x3FAF] =	sst s1  }
0xa: {  	[smem:$0x3FB0] =	sst s2  }
0xb: {  	[smem:$0x3FB1] =	sst s3  }
0xc: {  	[smem:$0x3FB2] =	sst s4  }
0xd: {  	[smem:$0x3FB3] =	sst s5  }
0xe: {  	[smem:$0x3FB4] =	sst s6  }
0xf: {  	[smem:$0x3FB5] =	sst s7  }
0x10: {  	[smem:$0x3FB6] =	sst s8  }
0x11: {  	[smem:$0x3FB7] =	sst s9;
	s0 =	simm.s32 @!p0 $0x0  }
0x12: {  	s1 =	sld [smem:$0x3F9D];
	s0 =	simm.s32 @p0 $0x1  }
0x13: {  	[smem:$0x3FB8] =	sst s0;
	s0 =	simm.s32 @!p1 $0x0  }
0x14: {  	s2 =	sld [smem:$0x3F9C];
	s0 =	simm.s32 @p1 $0x1  }
0x15: {  	[smem:$0x3FB9] =	sst s0;
	s0 =	simm.s32 @!p2 $0x0  }
0x16: {  	s3 =	sld [smem:$0x3FDB];
	s0 =	simm.s32 @p2 $0x1  }
0x17: {  	s4 =	simm.s32 $0x1BF5;
	[smem:$0x3FBB] =	sst s0  }
0x18: {  	s0 =	sld [smem:$0x3F9E];
	_ =	swait.ge [sflag:s4], $0x0  }
0x19: {  	s7 =	sld [smem:$0x3F9F]  }
0x1a: {  	s8 =	sadd.s32 $0xFFFFE003, lr  }
0x1b: {  	s9 =	sadd.s32 $0xFFFFFEF7, lr;
	s5 =	simm.s32 $0xFFFFFFFF;
	p2 =	slt.u32 s8, $0xFFFFF086  }
0x1c: {  	p1 =	slt.u32 s9, $0xF7A;
	s5 =	simm.s32 @!p2 $0x0  }
0x1d: {  	s5 =	simm.s32 @p1 $0x1;
	p0 =	seq.s32 s7, s2  }
0x1e: {  	s7 =	smul.u32 @!p0 $0xF7A, s2;
	p2 =	seq.s32 @!p0 s5, $0x0  }
0x1f: {  	s9 =	smul.u32 $0xF7A, s1;
	s8 =	simm.s32 @!p0 $0x1BF5;
	p2 =	por !p2, p0  }
0x20: {  	[sflag:s8] =	ssyncset.s32 @!p0 $0xFFFFF086;
	s6 =	sadd.s32 @!p0 s3, s7;
	s7 =	simm.s32 @!p0 $0x108  }
0x21: {  	s3 =	sadd.s32 s3, s9;
	s6 =	sadd.s32 @!p0 $0x88, s6;
	s7 =	simm.s32 @p2 $0x1082  }
0x22: {  	[simem:s7], [sflag:s8] =	dma.local @!p0 [hbm:s6], $0xF7A  }
0x23: {  	s9 =	sor.u32 $0xD0000000, s2;
	s6 =	simm.s32 $0x108;
	_ =	swait.ge @!p0 [sflag:s8], $0x0  }
0x24: {  	s3 =	sadd.s32 $0x88, s3;
	s6 =	simm.s32 @!p1 $0x1082;
	[sflag:s4] =	ssyncset.s32 $0xFFFFF086  }
0x25: {  	[simem:s6], [sflag:s4] =	dma.local [hbm:s3], $0xF7A  }
0x26: {  	[smem:$0x3F9F] =	sst s1;
	(tag) =	ssettag s2;
	_ =	strace s9  }
0x27: {  	s1 =	sld [smem:$0x3FAF]  }
0x28: {  	s2 =	sld [smem:$0x3FB0]  }
0x29: {  	s4 =	sld [smem:$0x3FB2]  }
0x2a: {  	p0 =	seq.s32 s5, $0x0;
	s5 =	sld [smem:$0x3FB3]  }
0x2b: {  	s6 =	sld [smem:$0x3FB4]  }
0x2c: {  	s7 =	sld [smem:$0x3FB5]  }
0x2d: {  	s3 =	simm.s32 $0x108;
	s8 =	sld [smem:$0x3FB6]  }
0x2e: {  	s3 =	simm.s32 @!p0 $0x1082;
	s9 =	sld [smem:$0x3FB7]  }
0x2f: {  	lr =	sadd.s32 s0, s3;
	s0 =	sld [smem:$0x3FAE]  }
0x30: {  	s3 =	sld [smem:$0x3FB1]  }
0x31: {  	[smem:$0x3FBA] =	sst s10  }
0x32: {  	s10 =	sld [smem:$0x3FB8];
	_ =	sdelay $0x3  }
0x33: {  	p0 =	seq.s32 s10, $0x1;
	s10 =	sld [smem:$0x3FBA];
	_ =	sdelay $0x3  }
0x34: {  	[smem:$0x3FBA] =	sst s10  }
0x35: {  	s10 =	sld [smem:$0x3FB9];
	_ =	sdelay $0x3  }
0x36: {  	p1 =	seq.s32 s10, $0x1;
	s10 =	sld [smem:$0x3FBA];
	_ =	sdelay $0x3  }
0x37: {  	[smem:$0x3FBA] =	sst s10  }
0x38: {  	s10 =	sld [smem:$0x3FBB]  }
0x39: {  	_ = 	snop;
	(pc) =	sbr.ind lr, $3  }
0x3a: {  	_ = 	snop  }
0x3b: {  	_ = 	snop  }
0x3c: {  	p2 =	seq.s32 s10, $0x1;
	s10 =	sld [smem:$0x3FBA]  }
0x3d: {  	_ =	shalt  }
0x3e: {  	_ =	shalt  }
0x3f: {  	_ =	shalt  }
0x40: {  	_ =	shalt  }
0x41: {  	_ =	shalt  }
0x42: {  	_ =	shalt  }
0x43: {  	_ =	shalt  }
0x44: {  	_ =	shalt  }
0x45: {  	_ =	shalt  }
0x46: {  	_ =	shalt  }
0x47: {  	_ =	shalt  }
0x48: {  	_ =	shalt  }
0x49: {  	_ =	shalt  }
0x4a: {  	_ =	shalt  }
0x4b: {  	_ =	shalt  }
0x4c: {  	_ =	shalt  }
0x4d: {  	_ =	shalt  }
0x4e: {  	_ =	shalt  }
0x4f: {  	_ =	shalt  }
0x50: {  	_ =	shalt  }
0x51: {  	_ =	shalt  }
0x52: {  	_ =	shalt  }
0x53: {  	_ =	shalt  }
0x54: {  	_ =	shalt  }
0x55: {  	_ =	shalt  }
0x56: {  	_ =	shalt  }
0x57: {  	_ =	shalt  }
0x58: {  	_ =	shalt  }
0x59: {  	_ =	shalt  }
0x5a: {  	_ =	shalt  }
0x5b: {  	_ =	shalt  }
0x5c: {  	_ =	shalt  }
0x5d: {  	_ =	shalt  }
0x5e: {  	_ =	shalt  }
0x5f: {  	_ =	shalt  }
0x60: {  	_ =	shalt  }
0x61: {  	_ =	shalt  }
0x62: {  	_ =	shalt  }
0x63: {  	_ =	shalt  }
0x64: {  	_ =	shalt  }
0x65: {  	_ =	shalt  }
0x66: {  	_ =	shalt  }
0x67: {  	_ =	shalt  }
0x68: {  	_ =	shalt  }
0x69: {  	_ =	shalt  }
0x6a: {  	_ =	shalt  }
0x6b: {  	_ =	shalt  }
0x6c: {  	_ =	shalt  }
0x6d: {  	_ =	shalt  }
0x6e: {  	_ =	shalt  }
0x6f: {  	_ =	shalt  }
0x70: {  	_ =	shalt  }
0x71: {  	_ =	shalt  }
0x72: {  	_ =	shalt  }
0x73: {  	_ =	shalt  }
0x74: {  	_ =	shalt  }
0x75: {  	_ =	shalt  }
0x76: {  	_ =	shalt  }
0x77: {  	_ =	shalt  }
0x78: {  	_ =	shalt  }
0x79: {  	_ =	shalt  }
0x7a: {  	_ =	shalt  }
0x7b: {  	_ =	shalt  }
0x7c: {  	_ =	shalt  }
0x7d: {  	_ =	shalt  }
0x7e: {  	_ =	shalt  }
0x7f: {  	_ =	shalt  }
0x80: {  	_ =	shalt  }
0x81: {  	_ =	shalt  }
0x82: {  	_ =	shalt  }
0x83: {  	_ =	shalt  }
0x84: {  	_ =	shalt  }
0x85: {  	_ =	shalt  }
0x86: {  	_ =	shalt  }
0x87: {  	_ =	shalt  }
.Lfunc_end0:
.L_simem_size_0:
called_computation.1_lowered:
.L_overlay_start_0:
0x88: {  	s2 =	sld [smem:$0x3FD9]  }
0x89: {  	s3 =	sld [smem:$0x3FFE];
	_ =	sdelay $0x1  }
0x8a: {  	s1 =	srdreg.scid  }
0x8b: {  	s0 =	sand.u32 $0x1, s1  }
0x8c: {  	s17 =	sshll.u32 s0, $0xA;
	s2 =	sadd.s32 s3, s2  }
0x8d: {  	s2 =	sadd.s32 s2, s17  }
0x8e: {  	[smem:$0x3FC6] =	sst s2  }
0x8f: {  	_ = 	snop  }
0x90: {  	s2 =	sld [smem:$0x3FD0];
	(tm) =	ssettm $0x1  }
0x91: {  	s18 =	sld [smem:$0x3FFB];
	_ =	sdelay $0x3  }
0x92: {  	_ =	strace s18  }
0x93: {  	s3 =	sld [smem:$0x3FFC];
	_ =	sdelay $0x3  }
0x94: {  	_ =	strace s3  }
0x95: {  	s3 =	sld [smem:$0x3FFD];
	_ =	sdelay $0x3  }
0x96: {  	_ =	strace s3  }
0x97: {  	_ =	strace $0x8FFFFFFF  }
0x98: {  	s19 =	sld [smem:$0x3FDB];
	_ =	sdelay $0x1  }
0x99: {  	s4 =	simm.s32 $_scs_section_size  }
0x9a: {  	s5 =	simm.s32 $_size__tile_overlayer_lowered;
	s6 =	simm.s32 $_tile_overlayer_lowered  }
0x9b: {  	s22 =	simm.s32 $0x1BFF;
	s21 =	sshll.u32 s6, $0x1;
	s3 =	sadd.s32 s4, s19  }
0x9c: {  	s7 =	simm.s32 $0x0;
	s20 =	sshll.u32 s5, $0x1;
	s5 =	sadd.s32 s21, s3  }
0x9d: {  	[timem:s7], [sflag:s22] =	dma.local [hbm:s5], s20  }
0x9e: {  	_ =	swait.ge [sflag:s22], s20  }
0x9f: {  	s4 =	ssub.s32 $0x0, s20;
	[sflag:s22] =	ssyncset.done $0x0  }
0xa0: {  	[sflag:s22] =	ssyncadd.s32 s4;
	_ =	sdelay $0x1  }
0xa1: {  	s23 =	simm.s32 $0x1B8B  }
0xa2: {  	_ =	swait.ge [sflag:s23], $0x1  }
0xa3: {  	[sflag:s23] =	ssyncset.done $0x0  }
0xa4: {  	s25 =	simm.s32 $0x1B8E;
	s24 =	sld [smem:$0x3FFE];
	[sflag:s23] =	ssyncadd.s32 $0xFFFFFFFF  }
0xa5: {  	s26 =	simm.s32 $execute0_lowered;
	[smem:$0x3FD2] =	sst s25  }
0xa6: {  	s5 =	sshll.u32 s26, $0x1;
	_ =	strace $0x80000046;
	[dreg:$0x1] =	wrdreg $0xFFFFFFFF  }
0xa7: {  	s28 =	simm.s32 $_size_execute0_lowered;
	s3 =	sadd.s32 s3, s5;
	[dreg:$0x0] =	wrdreg $0x0  }
0xa8: {  	s5 =	sshll.u32 s28, $0x1;
	[dreg:$0x2] =	wrdreg s3  }
0xa9: {  	[dreg:$0x3] =	wrdreg s5  }
0xaa: {  	[dreg:$0x4] =	wrdreg $0xC0  }
0xab: {  	_ =	task [dreg:s7], $0x5FFFF  }
0xac: {  	[dreg:$0x1] =	wrdreg $0xFFFFFFFF  }
0xad: {  	[dreg:$0x0] =	wrdreg $0x60  }
0xae: {  	[dreg:$0x2] =	wrdreg s24  }
0xaf: {  	[dreg:$0x3] =	wrdreg s2  }
0xb0: {  	[dreg:$0x4] =	wrdreg $0x9  }
0xb1: {  	_ =	task.clear_ibuf [dreg:s7], $0x5FFFF;
	_ =	strace $0x90000046  }
0xb2: {  	s29 =	simm.s32 $0x9;
	_ =	strace $0x80000048  }
0xb3: {  	_ =	swait.ge [sflag:s29], $0x1  }
0xb4: {  	[sflag:s29] =	ssyncadd.s32 $0xFFFFFFFF  }
0xb5: {  	_ =	strace $0x90000048  }
0xb6: {  	_ =	sfence  }
0xb7: {  	s30 =	sld [smem:$0x0];
	_ =	sdelay $0x2  }
0xb8: {  	s31 =	sshll.u32 s1, $0xD;
	s1 =	sshrl.u32 s1, $0x2  }
0xb9: {  	s3 =	sand.u32 $0x4000, s31;
	s1 =	sadd.s32 s1, s30  }
0xba: {  	s0 =	sor.u32 s3, s0;
	s1 =	sshll.u32 s1, $0x11  }
0xbb: {  	s0 =	sor.u32 s1, s0  }
0xbc: {  	s0 =	sadd.s32 $0x8F2B, s0  }
0xbd: {  	[sflag:s0] =	ssyncadd.remote.s32 $0x1  }
0xbe: {  	_ =	sfence.sel $0xFFFF  }
0xbf: {  	[dreg:$0x0] =	wrdreg $0xFFFFFFFF;
	(pc) =	sbr.abs _section_cstart, $3  }
0xc0: {  	[dreg:$0x1] =	wrdreg $0xFFFFFFFF  }
0xc1: {  	_ =	task.clear_ibuf [dreg:s7], $0x2FFFF;
	_ =	strace $0x9FFFFFFF  }
0xc2: {  	(tm) =	ssettm $0x7FFFFFFF  }
0xc3: {  	_ =	shalt  }
tec
execute0_lowered:
.L_overlay_start_1:
0x0: {  	(tag) =	ssettag $0x1  }
0x1: {  	s0 =	srdreg.scid;
	s1 =	rddreg [dreg:$0x0]  }
0x2: {  	s9 =	stileid.u32;
	s20 =	rddreg [dreg:$0x1]  }
0x3: {  	s3 =	simm.s32 $0x0;
	s28 =	simm.s32 $0xE800;
	s30 =	simm.s32 $0x10800  }
0x4: {  	s29 =	simm.s32 $0x3;
	s31 =	simm.s32 $0x4;
	s7 =	smul.u32 $0x6800, s9  }
0x5: {  	s0 =	sand.u32 $0x1, s0;
	s2 =	sshll.u32 s9, $0x1;
	s22 =	smul.u32 $0x1A0000, s9  }
0x6: {  	[smem:$0x7FF] =	sst s3;
	s5 =	sadd.s32 $0xDC00, s1;
	s26 =	smul.u32 $0x3400, s0  }
0x7: {  	s2 =	sor.u32 s0, s2;
	s25 =	ssub.s32 $0x2, s0;
	s0 =	smul.u32 $0xD0000, s0  }
0x8: {  	s9 =	simm.s32 $0x8800;
	_ =	strace $0x80000047;
	s4 =	smul.u32 $0x3400, s2  }
0x9: {  	[dreg:$0xa] =	wrdreg s5;
	s5 =	sadd.s32 $0x27AD000, s1;
	s6 =	smul.u32 $0x1A000, s2  }
0xa: {  	s2 =	smul.u32 $0xD0000, s2;
	s8 =	sshrl.u32 s25, $0x1;
	s13 =	sadd.s32 s26, s7  }
0xb: {  	s0 =	sadd.s32 s0, s22;
	s22 =	simm.s32 $0x14800;
	s10 =	sadd.s32 s20, s6  }
0xc: {  	s7 =	simm.s32 $0xC800;
	s0 =	sadd.s32 $0x10000, s0;
	[dreg:$0xb] =	wrdreg s10  }
0xd: {  	s4 =	sshrl.u32 s4, $0x3;
	s11 =	sadd.s32 $0x400, s10;
	[dreg:$0x15] =	wrdreg s0  }
0xe: {  	s2 =	sshrl.u32 s2, $0x3;
	s12 =	sadd.s32 $0x800, s10;
	[dreg:$0xd] =	wrdreg s11  }
0xf: {  	s4 =	sadd.s32 s4, s1;
	s14 =	sadd.s32 $0xC00, s10;
	[dreg:$0xe] =	wrdreg s12  }
0x10: {  	s2 =	sadd.s32 s20, s2;
	s4 =	sadd.s32 $0xC00, s4;
	[dreg:$0xf] =	wrdreg s14  }
0x11: {  	s1 =	ssub.s32 s25, s8;
	s15 =	sadd.s32 $0x19000, s2;
	[dreg:$0xc] =	wrdreg s4  }
0x12: {  	s0 =	simm.s32 $0x9;
	s16 =	sadd.s32 $0x19400, s2;
	[dreg:$0x10] =	wrdreg s15  }
0x13: {  	s8 =	simm.s32 $0xB;
	s18 =	sadd.s32 $0x19800, s2;
	[dreg:$0x11] =	wrdreg s16  }
0x14: {  	s10 =	simm.s32 $0xC;
	s2 =	sadd.s32 $0x19C00, s2;
	[dreg:$0x12] =	wrdreg s18  }
0x15: {  	s1 =	smax.u32 s1, $0x1;
	s4 =	sshll.u32 s13, $0x3;
	[dreg:$0x13] =	wrdreg s2  }
0x16: {  	s12 =	simm.s32 $0xD;
	[dreg:$0x14] =	wrdreg s1;
	s17 =	sor.u32 $0x1C00, s4  }
0x17: {  	s14 =	simm.s32 $0xE;
	s19 =	sor.u32 $0x1800, s4;
	[dreg:$0x3] =	wrdreg s17  }
0x18: {  	s11 =	simm.s32 $0x7;
	s21 =	sor.u32 $0x1400, s4;
	[dreg:$0x4] =	wrdreg s19  }
0x19: {  	s18 =	simm.s32 $0x12800;
	s23 =	sor.u32 $0x1000, s4;
	[dreg:$0x5] =	wrdreg s21  }
0x1a: {  	s15 =	simm.s32 $0xF;
	s24 =	sadd.s32 $0x2C00, s4;
	[dreg:$0x6] =	wrdreg s23  }
0x1b: {  	s1 =	simm.s32 $0x0;
	s25 =	sadd.s32 $0x2800, s4;
	[dreg:$0x7] =	wrdreg s24  }
0x1c: {  	s13 =	simm.s32 $0x8;
	s26 =	sadd.s32 $0x2400, s4;
	[dreg:$0x8] =	wrdreg s25  }
0x1d: {  	s4 =	simm.s32 $0xA;
	[dreg:$0x9] =	wrdreg s26;
	s19 =	simm.s32 $0x80  }
0x1e: {  	s17 =	simm.s32 $0x6800;
	s21 =	simm.s32 $0x8800;
	s23 =	simm.s32 $0xA800  }
0x1f: {  	s25 =	simm.s32 $0xC800;
	s24 =	simm.s32 $0x1;
	s26 =	simm.s32 $0x2  }
.LBB2_1:
0x20: {  	[dreg:$0x16] =	wrdreg s1  }
0x21: {  	s2 =	rddreg [dreg:$0xc];
	s6 =	simm.s32 $0x11  }
0x22: {  	[tilespmem:s3], [sflag:$0x11] =	stream.linear.gather [hbm4b:s2+s3], $0x3400, $0x38;
	[tilespmem:$0x16800] =	vst v63  }
0x23: {  	_ =	swait.ge [sflag:s6], $0x3400  }
0x24: {  	[sflag:s6] =	ssyncset.done $0x0  }
0x25: {  	s16 =	simm.s32 $0x3400;
	s1 =	rddreg [dreg:$0xa];
	[sflag:s6] =	ssyncadd.s32 $0xFFFFCC00  }
0x26: {  	[tilespmem:s16], [sflag:$0x11] =	stream.linear.gather [hbm4b:s1+s3], $0x3400, $0x38;
	[tilespmem:$0x16800] =	vst v63  }
0x27: {  	_ =	swait.ge [sflag:s6], $0x3400  }
0x28: {  	[sflag:s6] =	ssyncset.done $0x0  }
0x29: {  	s2 =	simm.s32 $0x0;
	[sflag:s6] =	ssyncadd.s32 $0xFFFFCC00  }
0x2a: {  	v6 =	vld [tilespmem:s2+$0x3400]  }
0x2b: {  	v8 =	vld [tilespmem:s2+$0x3410]  }
0x2c: {  	v5 =	vld [tilespmem:s2+$0x3420]  }
0x2d: {  	v4 =	vld [tilespmem:s2+$0x3430]  }
0x2e: {  	v3 =	vld [tilespmem:s2+$0x3440]  }
0x2f: {  	v2 =	vld [tilespmem:s2+$0x3450]  }
0x30: {  	v1 =	vld [tilespmem:s2+$0x3460]  }
0x31: {  	v0 =	vld [tilespmem:s2+$0x3470]  }
0x32: {  	v11 =	vld [tilespmem:s2+$0x0]  }
0x33: {  	v12 =	vld [tilespmem:s2+$0x10]  }
0x34: {  	v10 =	vld [tilespmem:s2+$0x20]  }
0x35: {  	v9 =	vld [tilespmem:s2+$0x30]  }
0x36: {  	v7 =	vld [tilespmem:s2+$0x40]  }
0x37: {  	v11 =	vadd.s32 v11, v6;
	v6 =	vld [tilespmem:s2+$0x50]  }
0x38: {  	s6 =	simm.s32 $0x200;
	[tilespmem:s2+$0x0] =	vst v11;
	v11 =	vadd.s32 v12, v8;
	v8 =	vld [tilespmem:s2+$0x60]  }
.LBB2_2:
0x39: {  	s16 =	sshra.s32 s6, $0x2;
	p0 =	sne.s32 s6, $0xCE00;
	[tilespmem:s2+$0x10] =	vst v11;
	v5 =	vadd.s32 v10, v5;
	v10 =	vld [tilespmem:s2+$0x70]  }
0x3a: {  	v11 =	vld [tilespmem:s16+$0x3400];
	[tilespmem:s2+$0x20] =	vst v5;
	v4 =	vadd.s32 v9, v4  }
0x3b: {  	v12 =	vld [tilespmem:s16+$0x3410];
	[tilespmem:s2+$0x30] =	vst v4;
	v3 =	vadd.s32 v7, v3  }
0x3c: {  	v5 =	vld [tilespmem:s16+$0x3420];
	[tilespmem:s2+$0x40] =	vst v3;
	v2 =	vadd.s32 v6, v2  }
0x3d: {  	v4 =	vld [tilespmem:s16+$0x3430];
	[tilespmem:s2+$0x50] =	vst v2;
	v1 =	vadd.s32 v8, v1  }
0x3e: {  	v3 =	vld [tilespmem:s16+$0x3440];
	[tilespmem:s2+$0x60] =	vst v1;
	v0 =	vadd.s32 v10, v0  }
0x3f: {  	v2 =	vld [tilespmem:s16+$0x3450];
	[tilespmem:s2+$0x70] =	vst v0;
	s2 =	smov.u32 s16  }
0x40: {  	v1 =	vld [tilespmem:s2+$0x3460]  }
0x41: {  	v0 =	vld [tilespmem:s2+$0x3470]  }
0x42: {  	v6 =	vld [tilespmem:s2+$0x0]  }
0x43: {  	v8 =	vld [tilespmem:s2+$0x10]  }
.Ltmp0:
0x44: {  	v10 =	vld [tilespmem:s2+$0x20];
	(pc) =	sbr.rel @p0 .LBB2_2-.Ltmp0, $4  }
0x45: {  	v9 =	vld [tilespmem:s2+$0x30]  }
0x46: {  	v7 =	vld [tilespmem:s2+$0x40]  }
0x47: {  	v11 =	vadd.s32 v6, v11;
	v6 =	vld [tilespmem:s2+$0x50]  }
0x48: {  	s6 =	sadd.s32 $0x200, s6;
	[tilespmem:s2+$0x0] =	vst v11;
	v11 =	vadd.s32 v8, v12;
	v8 =	vld [tilespmem:s2+$0x60]  }
0x49: {  	[tilespmem:s2+$0x10] =	vst v11;
	v5 =	vadd.s32 v10, v5;
	v63 =	vld [tilespmem:s2+$0x70]  }
0x4a: {  	[tilespmem:s2+$0x20] =	vst v5;
	v4 =	vadd.s32 v9, v4  }
0x4b: {  	[tilespmem:s2+$0x30] =	vst v4;
	v3 =	vadd.s32 v7, v3  }
0x4c: {  	[tilespmem:s2+$0x40] =	vst v3;
	v2 =	vadd.s32 v6, v2  }
0x4d: {  	[tilespmem:s2+$0x50] =	vst v2;
	v1 =	vadd.s32 v8, v1  }
0x4e: {  	[tilespmem:s2+$0x60] =	vst v1;
	v0 =	vadd.s32 v63, v0  }
0x4f: {  	[tilespmem:s2+$0x70] =	vst v0;
	s2 =	simm.s32 $0x0  }
0x50: {  	[tilespmem:s17], [sflag:$0x1] =	stream.indirect.gather [hbm4b:s5+s19], $0x40, s2, s19, $0xb8;
	[tilespmem:$0x16800] =	vst v63  }
0x51: {  	_ = 	snop  }
0x52: {  	[tilespmem:s21], [sflag:$0x2] =	stream.indirect.gather [hbm4b:s5+s19], $0x40, s19, s19, $0xb8;
	[tilespmem:$0x16800] =	vst v63  }
0x53: {  	s6 =	simm.s32 $0x100  }
0x54: {  	[tilespmem:s23], [sflag:$0x3] =	stream.indirect.gather [hbm4b:s5+s19], $0x40, s6, s19, $0xb8;
	[tilespmem:$0x16800] =	vst v63  }
0x55: {  	s16 =	simm.s32 $0x180  }
0x56: {  	[tilespmem:s25], [sflag:$0x4] =	stream.indirect.gather [hbm4b:s5+s19], $0x40, s16, s19, $0xb8;
	[tilespmem:$0x16800] =	vst v63  }
0x57: {  	s1 =	simm.s32 $0x200  }
0x58: {  	[tilespmem:s28], [sflag:$0x5] =	stream.indirect.gather [hbm4b:s5+s19], $0x40, s1, s19, $0xb8;
	[tilespmem:$0x16800] =	vst v63  }
0x59: {  	s1 =	simm.s32 $0x280  }
0x5a: {  	[tilespmem:s30], [sflag:$0x6] =	stream.indirect.gather [hbm4b:s5+s19], $0x40, s1, s19, $0xb8;
	[tilespmem:$0x16800] =	vst v63  }
0x5b: {  	s16 =	simm.s32 $0x300  }
0x5c: {  	[tilespmem:s18], [sflag:$0x7] =	stream.indirect.gather [hbm4b:s5+s19], $0x40, s16, s19, $0xb8;
	[tilespmem:$0x16800] =	vst v63  }
0x5d: {  	s6 =	simm.s32 $0x380  }
0x5e: {  	[tilespmem:s22], [sflag:$0x8] =	stream.indirect.gather [hbm4b:s5+s19], $0x40, s6, s19, $0xb8;
	[tilespmem:$0x16800] =	vst v63  }
0x5f: {  	_ =	swait.ge [sflag:s24], $0x2000  }
0x60: {  	[sflag:s24] =	ssyncset.done $0x0  }
0x61: {  	s16 =	rddreg [dreg:$0xb];
	[sflag:s24] =	ssyncadd.s32 $0xFFFFE000  }
0x62: {  	[hbm4b:s16+s2] =	stream.linear.scatter [tilespmem:s17], [sflag:$0x9], $0x2000, $0x38;
	[tilespmem:$0x16800] =	vst v63  }
0x63: {  	_ =	swait.ge [sflag:s26], $0x2000  }
0x64: {  	[sflag:s26] =	ssyncset.done $0x0  }
0x65: {  	s1 =	rddreg [dreg:$0xd];
	[sflag:s26] =	ssyncadd.s32 $0xFFFFE000  }
0x66: {  	[hbm4b:s1+s2] =	stream.linear.scatter [tilespmem:s21], [sflag:$0xA], $0x2000, $0x38;
	[tilespmem:$0x16800] =	vst v63  }
0x67: {  	_ =	swait.ge [sflag:s29], $0x2000  }
0x68: {  	[sflag:s29] =	ssyncset.done $0x0  }
0x69: {  	s16 =	rddreg [dreg:$0xe];
	[sflag:s29] =	ssyncadd.s32 $0xFFFFE000  }
0x6a: {  	[hbm4b:s16+s2] =	stream.linear.scatter [tilespmem:s23], [sflag:$0xB], $0x2000, $0x38;
	[tilespmem:$0x16800] =	vst v63  }
0x6b: {  	_ =	swait.ge [sflag:s31], $0x2000  }
0x6c: {  	[sflag:s31] =	ssyncset.done $0x0  }
0x6d: {  	s1 =	rddreg [dreg:$0xf];
	[sflag:s31] =	ssyncadd.s32 $0xFFFFE000  }
0x6e: {  	[hbm4b:s1+s2] =	stream.linear.scatter [tilespmem:s25], [sflag:$0xC], $0x2000, $0x38;
	[tilespmem:$0x16800] =	vst v63  }
0x6f: {  	_ =	swait.ge [sflag:s0], $0x2000  }
0x70: {  	[sflag:s0] =	ssyncset.done $0x0  }
0x71: {  	s6 =	simm.s32 $0x400;
	s16 =	simm.s32 $0x5;
	[sflag:s0] =	ssyncadd.s32 $0xFFFFE000  }
0x72: {  	[tilespmem:s17], [sflag:$0x1] =	stream.indirect.gather [hbm4b:s5+s19], $0x40, s6, s19, $0xb8;
	[tilespmem:$0x16800] =	vst v63  }
0x73: {  	_ =	swait.ge [sflag:s16], $0x2000  }
0x74: {  	s1 =	rddreg [dreg:$0x6];
	[sflag:s16] =	ssyncset.done $0x0  }
0x75: {  	[sflag:s16] =	ssyncadd.s32 $0xFFFFE000;
	s2 =	sadd.s32 s20, s1  }
0x76: {  	[hbm4b:s2+s3] =	stream.linear.scatter [tilespmem:s28], [sflag:$0xD], $0x2000, $0x38;
	[tilespmem:$0x16800] =	vst v63  }
0x77: {  	_ =	swait.ge [sflag:s4], $0x2000  }
0x78: {  	[sflag:s4] =	ssyncset.done $0x0  }
0x79: {  	s6 =	simm.s32 $0x6;
	[sflag:s4] =	ssyncadd.s32 $0xFFFFE000;
	s4 =	simm.s32 $0x480  }
0x7a: {  	[tilespmem:s21], [sflag:$0x2] =	stream.indirect.gather [hbm4b:s5+s19], $0x40, s4, s19, $0xb8;
	[tilespmem:$0x16800] =	vst v63  }
0x7b: {  	_ =	swait.ge [sflag:s6], $0x2000  }
0x7c: {  	s16 =	rddreg [dreg:$0x5];
	[sflag:s6] =	ssyncset.done $0x0  }
0x7d: {  	[sflag:s6] =	ssyncadd.s32 $0xFFFFE000;
	s2 =	sadd.s32 s20, s16  }
0x7e: {  	[hbm4b:s2+s3] =	stream.linear.scatter [tilespmem:s30], [sflag:$0xE], $0x2000, $0x38;
	[tilespmem:$0x16800] =	vst v63  }
0x7f: {  	_ =	swait.ge [sflag:s8], $0x2000  }
0x80: {  	[sflag:s8] =	ssyncset.done $0x0  }
0x81: {  	s1 =	simm.s32 $0x500;
	[sflag:s8] =	ssyncadd.s32 $0xFFFFE000  }
0x82: {  	[tilespmem:s23], [sflag:$0x3] =	stream.indirect.gather [hbm4b:s5+s19], $0x40, s1, s19, $0xb8;
	[tilespmem:$0x16800] =	vst v63  }
0x83: {  	_ =	swait.ge [sflag:s11], $0x2000  }
0x84: {  	s4 =	rddreg [dreg:$0x4];
	[sflag:s11] =	ssyncset.done $0x0  }
0x85: {  	[sflag:s11] =	ssyncadd.s32 $0xFFFFE000;
	s2 =	sadd.s32 s20, s4  }
0x86: {  	[hbm4b:s2+s3] =	stream.linear.scatter [tilespmem:s18], [sflag:$0xF], $0x2000, $0x38;
	[tilespmem:$0x16800] =	vst v63  }
0x87: {  	_ =	swait.ge [sflag:s10], $0x2000  }
0x88: {  	[sflag:s10] =	ssyncset.done $0x0  }
0x89: {  	s6 =	simm.s32 $0x580;
	[sflag:s10] =	ssyncadd.s32 $0xFFFFE000  }
0x8a: {  	[tilespmem:s25], [sflag:$0x4] =	stream.indirect.gather [hbm4b:s5+s19], $0x40, s6, s19, $0xb8;
	[tilespmem:$0x16800] =	vst v63  }
0x8b: {  	_ =	swait.ge [sflag:s13], $0x2000  }
0x8c: {  	s8 =	rddreg [dreg:$0x3];
	[sflag:s13] =	ssyncset.done $0x0  }
0x8d: {  	[sflag:s13] =	ssyncadd.s32 $0xFFFFE000;
	s2 =	sadd.s32 s20, s8  }
0x8e: {  	[hbm4b:s2+s3] =	stream.linear.scatter [tilespmem:s22], [sflag:$0x10], $0x2000, $0x38;
	[tilespmem:$0x16800] =	vst v63  }
0x8f: {  	_ =	swait.ge [sflag:s12], $0x2000  }
0x90: {  	[sflag:s12] =	ssyncset.done $0x0  }
0x91: {  	s10 =	simm.s32 $0x600;
	[sflag:s12] =	ssyncadd.s32 $0xFFFFE000  }
0x92: {  	[tilespmem:s28], [sflag:$0x5] =	stream.indirect.gather [hbm4b:s5+s19], $0x40, s10, s19, $0xb8;
	[tilespmem:$0x16800] =	vst v63  }
0x93: {  	_ =	swait.ge [sflag:s24], $0x2000  }
0x94: {  	s12 =	rddreg [dreg:$0x15]  }
0x95: {  	[sflag:s24] =	ssyncset.done $0x0;
	s16 =	sshrl.u32 s12, $0x3  }
0x96: {  	[sflag:s24] =	ssyncadd.s32 $0xFFFFE000;
	s2 =	sadd.s32 s20, s16  }
0x97: {  	[hbm4b:s2+s3] =	stream.linear.scatter [tilespmem:s17], [sflag:$0x9], $0x2000, $0x38;
	[tilespmem:$0x16800] =	vst v63  }
0x98: {  	_ =	swait.ge [sflag:s14], $0x2000  }
0x99: {  	[sflag:s14] =	ssyncset.done $0x0  }
0x9a: {  	s17 =	simm.s32 $0x680;
	[sflag:s14] =	ssyncadd.s32 $0xFFFFE000  }
0x9b: {  	[tilespmem:s30], [sflag:$0x6] =	stream.indirect.gather [hbm4b:s5+s19], $0x40, s17, s19, $0xb8;
	[tilespmem:$0x16800] =	vst v63  }
0x9c: {  	_ =	swait.ge [sflag:s26], $0x2000  }
0x9d: {  	s24 =	rddreg [dreg:$0x9];
	[sflag:s26] =	ssyncset.done $0x0  }
0x9e: {  	[sflag:s26] =	ssyncadd.s32 $0xFFFFE000;
	s2 =	sadd.s32 s20, s24  }
0x9f: {  	[hbm4b:s2+s3] =	stream.linear.scatter [tilespmem:s21], [sflag:$0xA], $0x2000, $0x38;
	[tilespmem:$0x16800] =	vst v63  }
0xa0: {  	_ =	swait.ge [sflag:s15], $0x2000  }
0xa1: {  	s0 =	simm.s32 $0x4;
	[sflag:s15] =	ssyncset.done $0x0  }
0xa2: {  	s4 =	simm.s32 $0x9;
	s25 =	simm.s32 $0x700;
	[sflag:s15] =	ssyncadd.s32 $0xFFFFE000  }
0xa3: {  	[tilespmem:s18], [sflag:$0x7] =	stream.indirect.gather [hbm4b:s5+s19], $0x40, s25, s19, $0xb8;
	[tilespmem:$0x16800] =	vst v63  }
0xa4: {  	s6 =	sadd.s32 $0x2000, s20;
	s8 =	simm.s32 $0xA;
	_ =	swait.ge [sflag:s29], $0x2000  }
0xa5: {  	s28 =	simm.s32 $0x780;
	s26 =	rddreg [dreg:$0x8];
	[sflag:s29] =	ssyncset.done $0x0  }
0xa6: {  	s24 =	simm.s32 $0x10;
	[sflag:s29] =	ssyncadd.s32 $0xFFFFE000;
	s2 =	sadd.s32 s20, s26  }
0xa7: {  	[hbm4b:s2+s3] =	stream.linear.scatter [tilespmem:s23], [sflag:$0xB], $0x2000, $0x38;
	[tilespmem:$0x16800] =	vst v63  }
0xa8: {  	s10 =	simm.s32 $0xB;
	s16 =	simm.s32 $0x1000;
	_ =	swait.ge [sflag:s24], $0x2000  }
0xa9: {  	s14 =	simm.s32 $0xD;
	s17 =	sadd.s32 $0x10000, s12;
	[sflag:s24] =	ssyncset.done $0x0  }
0xaa: {  	s12 =	simm.s32 $0xC;
	s21 =	simm.s32 $0xF;
	[sflag:s24] =	ssyncadd.s32 $0xFFFFE000  }
0xab: {  	[tilespmem:s22], [sflag:$0x8] =	stream.indirect.gather [hbm4b:s5+s19], $0x40, s28, s19, $0xb8;
	[tilespmem:$0x16800] =	vst v63  }
0xac: {  	s15 =	simm.s32 $0xE;
	s29 =	simm.s32 $0x2;
	_ =	swait.ge [sflag:s31], $0x2000  }
0xad: {  	s26 =	simm.s32 $0x1;
	s30 =	rddreg [dreg:$0x7];
	[sflag:s31] =	ssyncset.done $0x0  }
0xae: {  	[sflag:s31] =	ssyncadd.s32 $0xFFFFE000;
	s2 =	sadd.s32 s20, s30;
	s31 =	simm.s32 $0x3  }
.LBB2_4:
0xaf: {  	s18 =	simm.s32 $0xC800  }
0xb0: {  	[hbm4b:s2+s3] =	stream.linear.scatter [tilespmem:s18], [sflag:$0xC], $0x2000, $0x38;
	[tilespmem:$0x16800] =	vst v63  }
0xb1: {  	s20 =	smov.u32 s16;
	_ =	swait.ge [sflag:s4], $0x2000  }
0xb2: {  	s30 =	simm.s32 $0x6800;
	s2 =	sshra.s32 s20, $0x2;
	[sflag:s4] =	ssyncset.done $0x0  }
0xb3: {  	s1 =	simm.s32 $0x5;
	s20 =	sadd.s32 $0x400, s2;
	[sflag:s4] =	ssyncadd.s32 $0xFFFFE000  }
0xb4: {  	[tilespmem:s30], [sflag:$0x1] =	stream.indirect.gather [hbm4b:s5+s19], $0x40, s20, s19, $0xb8;
	[tilespmem:$0x16800] =	vst v63  }
0xb5: {  	_ =	swait.ge [sflag:s1], $0x2000  }
0xb6: {  	s22 =	rddreg [dreg:$0x6];
	[sflag:s1] =	ssyncset.done $0x0  }
0xb7: {  	[sflag:s1] =	ssyncadd.s32 $0xFFFFE000;
	s20 =	sadd.s32 s6, s22;
	s22 =	simm.s32 $0xE800  }
0xb8: {  	[hbm4b:s20+s3] =	stream.linear.scatter [tilespmem:s22], [sflag:$0xD], $0x2000, $0x38;
	[tilespmem:$0x16800] =	vst v63  }
0xb9: {  	_ =	swait.ge [sflag:s8], $0x2000  }
0xba: {  	[sflag:s8] =	ssyncset.done $0x0  }
0xbb: {  	s25 =	simm.s32 $0x6;
	s23 =	sadd.s32 $0x480, s2;
	[sflag:s8] =	ssyncadd.s32 $0xFFFFE000  }
0xbc: {  	[tilespmem:s9], [sflag:$0x2] =	stream.indirect.gather [hbm4b:s5+s19], $0x40, s23, s19, $0xb8;
	[tilespmem:$0x16800] =	vst v63  }
0xbd: {  	_ =	swait.ge [sflag:s25], $0x2000  }
0xbe: {  	s28 =	rddreg [dreg:$0x5];
	[sflag:s25] =	ssyncset.done $0x0  }
0xbf: {  	[sflag:s25] =	ssyncadd.s32 $0xFFFFE000;
	s20 =	sadd.s32 s6, s28;
	s28 =	simm.s32 $0x10800  }
0xc0: {  	[hbm4b:s20+s3] =	stream.linear.scatter [tilespmem:s28], [sflag:$0xE], $0x2000, $0x38;
	[tilespmem:$0x16800] =	vst v63  }
0xc1: {  	_ =	swait.ge [sflag:s10], $0x2000  }
0xc2: {  	[sflag:s10] =	ssyncset.done $0x0  }
0xc3: {  	s23 =	sadd.s32 $0x500, s2;
	s25 =	simm.s32 $0xA800;
	[sflag:s10] =	ssyncadd.s32 $0xFFFFE000  }
0xc4: {  	[tilespmem:s25], [sflag:$0x3] =	stream.indirect.gather [hbm4b:s5+s19], $0x40, s23, s19, $0xb8;
	[tilespmem:$0x16800] =	vst v63  }
0xc5: {  	_ =	swait.ge [sflag:s11], $0x2000  }
0xc6: {  	s1 =	rddreg [dreg:$0x4];
	[sflag:s11] =	ssyncset.done $0x0  }
0xc7: {  	[sflag:s11] =	ssyncadd.s32 $0xFFFFE000;
	s20 =	sadd.s32 s6, s1;
	s1 =	simm.s32 $0x12800  }
0xc8: {  	[hbm4b:s20+s3] =	stream.linear.scatter [tilespmem:s1], [sflag:$0xF], $0x2000, $0x38;
	[tilespmem:$0x16800] =	vst v63  }
0xc9: {  	_ =	swait.ge [sflag:s12], $0x2000  }
0xca: {  	[sflag:s12] =	ssyncset.done $0x0  }
0xcb: {  	s23 =	sadd.s32 $0x580, s2;
	[sflag:s12] =	ssyncadd.s32 $0xFFFFE000  }
0xcc: {  	[tilespmem:s18], [sflag:$0x4] =	stream.indirect.gather [hbm4b:s5+s19], $0x40, s23, s19, $0xb8;
	[tilespmem:$0x16800] =	vst v63  }
0xcd: {  	_ =	swait.ge [sflag:s13], $0x2000  }
0xce: {  	s18 =	rddreg [dreg:$0x3];
	[sflag:s13] =	ssyncset.done $0x0  }
0xcf: {  	[sflag:s13] =	ssyncadd.s32 $0xFFFFE000;
	s20 =	sadd.s32 s6, s18;
	s18 =	simm.s32 $0x14800  }
0xd0: {  	[hbm4b:s20+s3] =	stream.linear.scatter [tilespmem:s18], [sflag:$0x10], $0x2000, $0x38;
	[tilespmem:$0x16800] =	vst v63  }
0xd1: {  	_ =	swait.ge [sflag:s14], $0x2000  }
0xd2: {  	[sflag:s14] =	ssyncset.done $0x0  }
0xd3: {  	s20 =	sadd.s32 $0x600, s2;
	[sflag:s14] =	ssyncadd.s32 $0xFFFFE000  }
0xd4: {  	[tilespmem:s22], [sflag:$0x5] =	stream.indirect.gather [hbm4b:s5+s19], $0x40, s20, s19, $0xb8;
	[tilespmem:$0x16800] =	vst v63  }
0xd5: {  	_ =	swait.ge [sflag:s26], $0x2000  }
0xd6: {  	[sflag:s26] =	ssyncset.done $0x0  }
0xd7: {  	[sflag:s26] =	ssyncadd.s32 $0xFFFFE000  }
0xd8: {  	s20 =	sshrl.u32 s17, $0x3;
	s22 =	rddreg [dreg:$0x1]  }
0xd9: {  	s20 =	sadd.s32 s22, s20  }
0xda: {  	[hbm4b:s20+s3] =	stream.linear.scatter [tilespmem:s30], [sflag:$0x9], $0x2000, $0x38;
	[tilespmem:$0x16800] =	vst v63  }
0xdb: {  	_ =	swait.ge [sflag:s15], $0x2000  }
0xdc: {  	[sflag:s15] =	ssyncset.done $0x0  }
0xdd: {  	s22 =	sadd.s32 $0x680, s2;
	[sflag:s15] =	ssyncadd.s32 $0xFFFFE000  }
0xde: {  	[tilespmem:s28], [sflag:$0x6] =	stream.indirect.gather [hbm4b:s5+s19], $0x40, s22, s19, $0xb8;
	[tilespmem:$0x16800] =	vst v63  }
0xdf: {  	_ =	swait.ge [sflag:s29], $0x2000  }
0xe0: {  	s22 =	rddreg [dreg:$0x9];
	[sflag:s29] =	ssyncset.done $0x0  }
0xe1: {  	[sflag:s29] =	ssyncadd.s32 $0xFFFFE000;
	s20 =	sadd.s32 s6, s22  }
0xe2: {  	[hbm4b:s20+s3] =	stream.linear.scatter [tilespmem:s9], [sflag:$0xA], $0x2000, $0x38;
	[tilespmem:$0x16800] =	vst v63  }
0xe3: {  	_ =	swait.ge [sflag:s21], $0x2000  }
0xe4: {  	[sflag:s21] =	ssyncset.done $0x0  }
0xe5: {  	s28 =	sadd.s32 $0x700, s2;
	[sflag:s21] =	ssyncadd.s32 $0xFFFFE000  }
0xe6: {  	[tilespmem:s1], [sflag:$0x7] =	stream.indirect.gather [hbm4b:s5+s19], $0x40, s28, s19, $0xb8;
	[tilespmem:$0x16800] =	vst v63  }
0xe7: {  	_ =	swait.ge [sflag:s31], $0x2000  }
0xe8: {  	s1 =	rddreg [dreg:$0x8];
	[sflag:s31] =	ssyncset.done $0x0  }
0xe9: {  	[sflag:s31] =	ssyncadd.s32 $0xFFFFE000;
	s20 =	sadd.s32 s6, s1  }
0xea: {  	[hbm4b:s20+s3] =	stream.linear.scatter [tilespmem:s25], [sflag:$0xB], $0x2000, $0x38;
	[tilespmem:$0x16800] =	vst v63  }
0xeb: {  	p0 =	sne.s32 s16, $0xB000;
	s16 =	sadd.s32 $0x1000, s16;
	_ =	swait.ge [sflag:s24], $0x2000  }
0xec: {  	s23 =	simm.s32 $0xE800;
	s17 =	sadd.s32 $0x10000, s17;
	[sflag:s24] =	ssyncset.done $0x0  }
.Ltmp1:
0xed: {  	s2 =	sadd.s32 $0x780, s2;
	[sflag:s24] =	ssyncadd.s32 $0xFFFFE000;
	(pc) =	sbr.rel @p0 .LBB2_4-.Ltmp1, $4  }
0xee: {  	[tilespmem:s18], [sflag:$0x8] =	stream.indirect.gather [hbm4b:s5+s19], $0x40, s2, s19, $0xb8;
	[tilespmem:$0x16800] =	vst v63  }
0xef: {  	s30 =	simm.s32 $0x10800;
	s22 =	simm.s32 $0x12800;
	_ =	swait.ge [sflag:s0], $0x2000  }
0xf0: {  	s20 =	simm.s32 $0x14800;
	[sflag:s0] =	ssyncset.done $0x0;
	s28 =	rddreg [dreg:$0x7]  }
0xf1: {  	[sflag:s0] =	ssyncadd.s32 $0xFFFFE000;
	s2 =	sadd.s32 s6, s28;
	s6 =	sadd.s32 $0x2000, s6  }
0xf2: {  	[hbm4b:s2+s3] =	stream.linear.scatter [tilespmem:s7], [sflag:$0xC], $0x2000, $0x38;
	[tilespmem:$0x16800] =	vst v63  }
0xf3: {  	s0 =	simm.s32 $0x5  }
0xf4: {  	_ =	swait.ge [sflag:s0], $0x2000  }
0xf5: {  	[sflag:s0] =	ssyncset.done $0x0  }
0xf6: {  	s17 =	simm.s32 $0x6;
	s16 =	rddreg [dreg:$0x10];
	[sflag:s0] =	ssyncadd.s32 $0xFFFFE000  }
0xf7: {  	[hbm4b:s16+s3] =	stream.linear.scatter [tilespmem:s23], [sflag:$0xD], $0x2000, $0x38;
	[tilespmem:$0x16800] =	vst v63  }
0xf8: {  	_ =	swait.ge [sflag:s17], $0x2000  }
0xf9: {  	[sflag:s17] =	ssyncset.done $0x0  }
0xfa: {  	s18 =	rddreg [dreg:$0x11];
	[sflag:s17] =	ssyncadd.s32 $0xFFFFE000  }
0xfb: {  	[hbm4b:s18+s3] =	stream.linear.scatter [tilespmem:s30], [sflag:$0xE], $0x2000, $0x38;
	[tilespmem:$0x16800] =	vst v63  }
0xfc: {  	_ =	swait.ge [sflag:s11], $0x2000  }
0xfd: {  	[sflag:s11] =	ssyncset.done $0x0  }
0xfe: {  	s23 =	rddreg [dreg:$0x12];
	[sflag:s11] =	ssyncadd.s32 $0xFFFFE000  }
0xff: {  	[hbm4b:s23+s3] =	stream.linear.scatter [tilespmem:s22], [sflag:$0xF], $0x2000, $0x38;
	[tilespmem:$0x16800] =	vst v63  }
0x100: {  	_ =	swait.ge [sflag:s13], $0x2000  }
0x101: {  	[sflag:s13] =	ssyncset.done $0x0  }
0x102: {  	s25 =	rddreg [dreg:$0x13];
	[sflag:s13] =	ssyncadd.s32 $0xFFFFE000  }
0x103: {  	[hbm4b:s25+s3] =	stream.linear.scatter [tilespmem:s20], [sflag:$0x10], $0x2000, $0x38;
	[tilespmem:$0x16800] =	vst v63  }
0x104: {  	_ =	swait.ge [sflag:s4], $0x2000  }
0x105: {  	[sflag:s4] =	ssyncset.done $0x0  }
0x106: {  	[sflag:s4] =	ssyncadd.s32 $0xFFFFE000  }
0x107: {  	_ =	swait.ge [sflag:s8], $0x2000  }
0x108: {  	[sflag:s8] =	ssyncset.done $0x0  }
0x109: {  	[sflag:s8] =	ssyncadd.s32 $0xFFFFE000  }
0x10a: {  	_ =	swait.ge [sflag:s10], $0x2000  }
0x10b: {  	[sflag:s10] =	ssyncset.done $0x0  }
0x10c: {  	[sflag:s10] =	ssyncadd.s32 $0xFFFFE000  }
0x10d: {  	_ =	swait.ge [sflag:s12], $0x2000  }
0x10e: {  	[sflag:s12] =	ssyncset.done $0x0  }
0x10f: {  	[sflag:s12] =	ssyncadd.s32 $0xFFFFE000  }
0x110: {  	_ =	swait.ge [sflag:s14], $0x2000  }
0x111: {  	[sflag:s14] =	ssyncset.done $0x0  }
0x112: {  	[sflag:s14] =	ssyncadd.s32 $0xFFFFE000  }
0x113: {  	_ =	swait.ge [sflag:s15], $0x2000  }
0x114: {  	[sflag:s15] =	ssyncset.done $0x0  }
0x115: {  	[sflag:s15] =	ssyncadd.s32 $0xFFFFE000  }
0x116: {  	_ =	swait.ge [sflag:s21], $0x2000  }
0x117: {  	[sflag:s21] =	ssyncset.done $0x0  }
0x118: {  	s28 =	simm.s32 $0xE800;
	[sflag:s21] =	ssyncadd.s32 $0xFFFFE000  }
0x119: {  	s29 =	simm.s32 $0x3;
	s31 =	simm.s32 $0x4;
	_ =	swait.ge [sflag:s24], $0x2000  }
0x11a: {  	s0 =	simm.s32 $0x9;
	s17 =	simm.s32 $0x6800;
	s1 =	rddreg [dreg:$0x16]  }
0x11b: {  	s30 =	simm.s32 $0x10800;
	s26 =	rddreg [dreg:$0x14];
	s1 =	sadd.s32 $0x1, s1  }
0x11c: {  	s18 =	simm.s32 $0x12800;
	s23 =	simm.s32 $0xA800;
	p0 =	sne.s32 s1, s26  }
.Ltmp2:
0x11d: {  	s22 =	simm.s32 $0x14800;
	s25 =	simm.s32 $0xC800;
	(pc) =	sbr.rel @p0 .LBB2_1-.Ltmp2, $4  }
0x11e: {  	s4 =	simm.s32 $0xA;
	s8 =	simm.s32 $0xB;
	s10 =	simm.s32 $0xC  }
0x11f: {  	s12 =	simm.s32 $0xD;
	s14 =	simm.s32 $0xE;
	[sflag:s24] =	ssyncset.done $0x0  }
0x120: {  	s15 =	simm.s32 $0xF;
	s21 =	simm.s32 $0x8800;
	[sflag:s24] =	ssyncadd.s32 $0xFFFFE000  }
0x121: {  	s24 =	simm.s32 $0x1;
	s20 =	rddreg [dreg:$0x1];
	s26 =	simm.s32 $0x2  }
0x122: {  	_ =	sfence.sel $0x180000  }
0x123: {  	[bflag:$0x0] =	sbarrier.arrive $0xFFFF  }
0x124: {  	_ =	strace $0x90000047  }
0x125: {  	s0 =	stileid.u32;
	[bflag:$0x2] =	sbarrier.arrive $0xFFFF  }
0x126: {  	p0 =	sne.s32 s0, $0x0;
	s0 =	rddreg [dreg:$0x2]  }
0x127: {  	s0 =	sadd.s32 @!p0 $0x100000, s0  }
0x128: {  	[sflag:s0] =	ssyncadd.tile.s32 @!p0 $0x1;
	_ =	shalt  }
.Lfunc_end2:
_tile_overlayer_lowered:
.L_overlay_start_2:
0x129: {  	(tag) =	ssettag $0x2  }
0x12a: {  	s0 =	rddreg [dreg:$0x0];
	s2 =	stileid.u32  }
0x12b: {  	s1 =	rddreg [dreg:$0x1];
	p0 =	sne.s32 s2, $0x0  }
0x12c: {  	s3 =	rddreg [dreg:$0x2];
	[bflag:$0x3] =	sbarrier.arrive $0xFFFF;
	s2 =	simm.s32 @!p0 $0x1C11  }
0x12d: {  	[timem:s3], [sflag:s2] =	dma.local @!p0 [hbm:s0], s1  }
0x12e: {  	s0 =	simm.s32 @!p0 $0x11  }
0x12f: {  	_ =	swait.ge @!p0 [sflag:s0], s1  }
0x130: {  	s1 =	ssub.s32 @!p0 $0x0, s1;
	[sflag:s0] =	ssyncset.done @!p0 $0x0  }
0x131: {  	[sflag:s0] =	ssyncadd.s32 @!p0 s1  }
0x132: {  	[bflag:$0x3] =	sbarrier.arrive $0xFFFF  }
0x133: {  	_ =	shalt  }

// kernel: sparse-core-data-format-call.cloned.1.call-start
scs
called_computation_lowered:
.L_overlay_start_0:
0x0: {  	s2 =	sld [smem:$0x3FD9]  }
0x1: {  	s3 =	sld [smem:$0x3FFE];
	_ =	sdelay $0x1  }
0x2: {  	s1 =	srdreg.scid  }
0x3: {  	s0 =	sand.u32 $0x1, s1  }
0x4: {  	s18 =	sshll.u32 s0, $0xA;
	s2 =	sadd.s32 s3, s2  }
0x5: {  	s2 =	sadd.s32 s2, s18  }
0x6: {  	[smem:$0x3FC6] =	sst s2  }
0x7: {  	_ = 	snop  }
0x8: {  	s2 =	sld [smem:$0x3FD0];
	(tm) =	ssettm $0x1  }
0x9: {  	s19 =	sld [smem:$0x3FFB];
	_ =	sdelay $0x3  }
0xa: {  	_ =	strace s19  }
0xb: {  	s3 =	sld [smem:$0x3FFC];
	_ =	sdelay $0x3  }
0xc: {  	_ =	strace s3  }
0xd: {  	s3 =	sld [smem:$0x3FFD];
	_ =	sdelay $0x3  }
0xe: {  	_ =	strace s3  }
0xf: {  	_ =	strace $0x8FFFFFFF  }
0x10: {  	s20 =	sld [smem:$0x3FDB];
	_ =	sdelay $0x1  }
0x11: {  	s4 =	simm.s32 $_scs_section_size  }
0x12: {  	s5 =	simm.s32 $_size__tile_overlayer_lowered;
	s6 =	simm.s32 $_tile_overlayer_lowered  }
0x13: {  	s23 =	simm.s32 $0x1BFF;
	s22 =	sshll.u32 s6, $0x1;
	s3 =	sadd.s32 s4, s20  }
0x14: {  	s7 =	simm.s32 $0x0;
	s21 =	sshll.u32 s5, $0x1;
	s5 =	sadd.s32 s22, s3  }
0x15: {  	[timem:s7], [sflag:s23] =	dma.local [hbm:s5], s21  }
0x16: {  	_ =	swait.ge [sflag:s23], s21  }
0x17: {  	s4 =	ssub.s32 $0x0, s21;
	[sflag:s23] =	ssyncset.done $0x0  }
0x18: {  	[sflag:s23] =	ssyncadd.s32 s4;
	_ =	sdelay $0x1  }
0x19: {  	s24 =	simm.s32 $0x1B8B  }
0x1a: {  	_ =	swait.ge [sflag:s24], $0x1  }
0x1b: {  	[sflag:s24] =	ssyncset.done $0x0  }
0x1c: {  	s26 =	simm.s32 $0x1B8E;
	s25 =	sld [smem:$0x3FFE];
	[sflag:s24] =	ssyncadd.s32 $0xFFFFFFFF  }
0x1d: {  	s27 =	simm.s32 $execute0_lowered;
	[smem:$0x3FD2] =	sst s26  }
0x1e: {  	s5 =	sshll.u32 s27, $0x1;
	_ =	strace $0x80000049;
	[dreg:$0x1] =	wrdreg $0xFFFFFFFF  }
0x1f: {  	s28 =	simm.s32 $_size_execute0_lowered;
	s3 =	sadd.s32 s3, s5;
	[dreg:$0x0] =	wrdreg $0x0  }
0x20: {  	s5 =	sshll.u32 s28, $0x1;
	[dreg:$0x2] =	wrdreg s3  }
0x21: {  	[dreg:$0x3] =	wrdreg s5  }
0x22: {  	[dreg:$0x4] =	wrdreg $0xC0  }
0x23: {  	_ =	task [dreg:s7], $0x5FFFF  }
0x24: {  	[dreg:$0x1] =	wrdreg $0xFFFFFFFF  }
0x25: {  	[dreg:$0x0] =	wrdreg $0x60  }
0x26: {  	[dreg:$0x2] =	wrdreg s25  }
0x27: {  	[dreg:$0x3] =	wrdreg s2  }
0x28: {  	[dreg:$0x4] =	wrdreg $0x9  }
0x29: {  	_ =	task.clear_ibuf [dreg:s7], $0x5FFFF;
	_ =	strace $0x90000049  }
0x2a: {  	s29 =	simm.s32 $0x9;
	_ =	strace $0x8000004B  }
0x2b: {  	_ =	swait.ge [sflag:s29], $0x1  }
0x2c: {  	[sflag:s29] =	ssyncadd.s32 $0xFFFFFFFF  }
0x2d: {  	_ =	strace $0x9000004B  }
0x2e: {  	_ =	sfence  }
0x2f: {  	s30 =	sld [smem:$0x0];
	_ =	sdelay $0x2  }
0x30: {  	s31 =	sshll.u32 s1, $0xD;
	s1 =	sshrl.u32 s1, $0x2  }
0x31: {  	s3 =	sand.u32 $0x4000, s31;
	s1 =	sadd.s32 s1, s30  }
0x32: {  	s0 =	sor.u32 s3, s0;
	s1 =	sshll.u32 s1, $0x11  }
0x33: {  	s0 =	sor.u32 s1, s0  }
0x34: {  	s0 =	sadd.s32 $0x8F2B, s0  }
0x35: {  	[sflag:s0] =	ssyncadd.remote.s32 $0x1  }
0x36: {  	_ =	sfence.sel $0xFFFF  }
0x37: {  	[dreg:$0x0] =	wrdreg $0xFFFFFFFF;
	(pc) =	sbr.abs _section_cstart, $3  }
0x38: {  	[dreg:$0x1] =	wrdreg $0xFFFFFFFF  }
0x39: {  	_ =	task.clear_ibuf [dreg:s7], $0x2FFFF;
	_ =	strace $0x9FFFFFFF  }
0x3a: {  	(tm) =	ssettm $0x7FFFFFFF  }
0x3b: {  	_ =	shalt  }
tec
execute0_lowered:
.L_overlay_start_1:
0x0: {  	(tag) =	ssettag $0x1  }
0x1: {  	s0 =	srdreg.scid  }
0x2: {  	s1 =	sshll.u32 s0, $0x4  }
0x3: {  	s0 =	stileid.u32;
	s1 =	sand.u32 $0x10, s1  }
0x4: {  	s1 =	sor.u32 s0, s1  }
0x5: {  	s6 =	rddreg [dreg:$0x0];
	s4 =	simm.s32 $0x1;
	s2 =	sshll.u32 s1, $0x7  }
0x6: {  	s7 =	simm.s32 $0x2;
	s12 =	simm.s32 $0x0;
	s1 =	ssub.s32 $0x4000, s2  }
0x7: {  	s8 =	simm.s32 $0x20000;
	s13 =	simm.s32 $0x0;
	s3 =	sand.u32 $0xF80, s1  }
0x8: {  	s9 =	simm.s32 $0x0;
	s5 =	sshrl.u32 s1, $0xC;
	p0 =	sne.s32 s3, $0x0  }
.Ltmp0:
0x9: {  	s1 =	rddreg [dreg:$0x2];
	s4 =	simm.s32 @!p0 $0x0;
	(pc) =	sbr.rel .LBB1_1-.Ltmp0, $4  }
0xa: {  	s11 =	simm.s32 $0x0;
	s3 =	rddreg [dreg:$0x1];
	s5 =	sadd.s32 s4, s5  }
0xb: {  	_ =	strace $0x8000004A;
	s4 =	simm.s32 $0x1;
	s5 =	smul.u32 $0x1A, s5  }
0xc: {  	s6 =	sadd.s32 $0xC00, s6;
	s10 =	smov.u32 s2;
	[sflag:s4] =	ssyncpa.u1 $0x0  }
0xd: {  	p0 =	por $0x0, $0x0;
	[sflag:s7] =	ssyncpa.u1 $0x0;
	s7 =	sor.u32 $0x1, s5  }
.LBB1_4:
0xe: {  	s16 =	sshll.u32 s13, $0x3;
	s17 =	sand.u32 $0x78, s13  }
0xf: {  	s30 =	sand.u32 $0x1F800, s13;
	s12 =	sshll.u32 s12, $0x11;
	s16 =	sand.u32 $0x3C00, s16  }
0x10: {  	[tilespmem:s15+$0x810 ss:$0x81] =	vst.msk $0xffff, v2;
	s31 =	sand.u32 $0x7, s13;
	s16 =	sor.u32 s17, s16;
	s17 =	sadd.s32 s3, s30  }
0x11: {  	[tilespmem:s15+$0x1020 ss:$0x81] =	vst.msk $0xffff, v0;
	s13 =	sshll.u32 s31, $0x12;
	s12 =	sadd.s32 s12, s17;
	s16 =	sshrl.u32 s16, $0x3  }
0x12: {  	[tilespmem:s15+$0x0 ss:$0x81] =	vst.msk $0xffff, v1;
	s13 =	sor.u32 $0x400, s13;
	s12 =	sadd.s32 s16, s12  }
0x13: {  	[hbm4b:s12+s13] =	stream.strided.scatter [tilespmem:s14], [sflag:$0x2], $0x2000, s8, s13, $0x20;
	[tilespmem:$0x8080] =	vst v63  }
.LBB1_5:
0x14: {  	s14 =	sadd.s32 $0x1, s9  }
0x15: {  	s12 =	sadd.s32 $0x1000, s10;
	s16 =	smov.u32 s10;
	p2 =	sgt.s32 s14, $0x19  }
0x16: {  	s16 =	smov.u32 @p2 s12  }
0x17: {  	s14 =	simm.s32 @p2 $0x0;
	p2 =	sgt.s32 s16, $0x3FFF  }
0x18: {  	s16 =	smov.u32 @p2 s2;
	p2 =	sne.s32 s11, s7  }
.Ltmp1:
0x19: {  	p1 =	slt.u32 s11, $0x2;
	(pc) =	sbr.rel @!p2 .LBB1_6-.Ltmp1, $4  }
0x1a: {  	s15 =	simm.s32 @!p1 $0x2  }
0x1b: {  	s13 =	smov.u32 s10;
	p0 =	por !p0, !p0;
	_ =	swait.ge @!p1 [sflag:s15], $0x2000  }
0x1c: {  	s12 =	smov.u32 s9;
	[sflag:s15] =	ssyncset.done @!p1 $0x0;
	s9 =	smov.u32 s14  }
0x1d: {  	s11 =	sadd.s32 $0x1, s11;
	[sflag:s15] =	ssyncadd.s32 @!p1 $0xFFFFE000;
	s10 =	smov.u32 s16  }
.LBB1_1:
0x1e: {  	p1 =	sge.u32 s11, s5  }
0x1f: {  	s31 =	sadd.s32 $0xFFFFFFFF, s11;
	s14 =	sxor.u32 @!p1 $0xFFFFFFFF, s11  }
0x20: {  	s15 =	sshll.u32 @!p1 s10, $0x9;
	s16 =	sshll.u32 @!p1 s9, $0x4;
	s17 =	simm.s32 @!p1 $0x1000  }
0x21: {  	s14 =	sshll.u32 @!p1 s14, $0xD;
	s16 =	sand.u32 @!p1 $0x1F0, s16;
	s15 =	sadd.s32 @!p1 s6, s15  }
0x22: {  	s14 =	sand.u32 @!p1 $0x2000, s14;
	s15 =	sadd.s32 @!p1 s16, s15;
	s16 =	simm.s32 @!p1 $0x40  }
0x23: {  	[tilespmem:s14], [sflag:$0x1] =	stream.strided.gather @!p1 [hbm4b:s15+s16], $0x2000, s17, s16, $0x38;
	[tilespmem:$0x8080] =	vst v63  }
0x24: {  	p1 =	sge.u32 s31, s5  }
.Ltmp2:
0x25: {  	_ = 	snop;
	(pc) =	sbr.rel @p1 .LBB1_5-.Ltmp2, $1  }
0x26: {  	_ =	sdelay $0x3  }
0x27: {  	s14 =	simm.s32 $0x1  }
0x28: {  	_ =	swait.ge [sflag:s4], $0x2000;
	s14 =	simm.s32 @!p0 $0x0  }
0x29: {  	[sflag:s4] =	ssyncset.done $0x0;
	s15 =	sshll.u32 s14, $0xD  }
0x2a: {  	[sflag:s4] =	ssyncadd.s32 $0xFFFFE000;
	s18 =	sor.u32 $0x20, s15  }
0x2b: {  	s14 =	smul.u32 $0x8100, s14;
	v3 =	vld [tilespmem:s18+$0x10]  }
0x2c: {  	s30 =	sand.u32 $0x1, s11;
	v2 =	vld [tilespmem:s18+$0xFFFFFFF0]  }
0x2d: {  	s15 =	smul.u32 $0x8100, s30;
	s14 =	sshrl.u32 s14, $0x2;
	v0 =	vld [tilespmem:s18+$0x0]  }
0x2e: {  	v1 =	vld [tilespmem:s18+$0xFFFFFFE0];
	s16 =	sor.u32 $0x4000, s14  }
0x2f: {  	s31 =	sshrl.u32 s15, $0x2;
	s15 =	sadd.s32 $0x0, s16  }
0x30: {  	s17 =	simm.s32 $0x4;
	s18 =	sadd.s32 $0x40, s18;
	s14 =	sor.u32 $0x4000, s31;
	[tilespmem:s15+$0x1830 ss:$0x81] =	vst.msk $0xffff, v3  }
.LBB1_3:
0x31: {  	v3 =	vld [tilespmem:s18+$0x10];
	p1 =	sne.s32 s17, $0x1FC;
	[tilespmem:s15+$0x810 ss:$0x81] =	vst.msk $0xffff, v2;
	s19 =	smov.u32 s17;
	s17 =	sadd.s32 $0x4, s17  }
.Ltmp3:
0x32: {  	v2 =	vld [tilespmem:s18+$0xFFFFFFF0];
	[tilespmem:s15+$0x1020 ss:$0x81] =	vst.msk $0xffff, v0;
	(pc) =	sbr.rel @p1 .LBB1_3-.Ltmp3, $4  }
0x33: {  	v0 =	vld [tilespmem:s18+$0x0];
	[tilespmem:s15+$0x0 ss:$0x81] =	vst.msk $0xffff, v1  }
0x34: {  	s15 =	sshra.s32 s19, $0x2;
	v1 =	vld [tilespmem:s18+$0xFFFFFFE0]  }
0x35: {  	s15 =	sadd.s32 s15, s16  }
0x36: {  	s18 =	sadd.s32 $0x40, s18;
	[tilespmem:s15+$0x1830 ss:$0x81] =	vst.msk $0xffff, v3  }
.Ltmp4:
0x37: {  	_ = 	snop;
	(pc) =	sbr.rel .LBB1_4-.Ltmp4, $1  }
0x38: {  	_ =	sdelay $0x3  }
.LBB1_6:
0x39: {  	_ =	sfence.sel $0x180000  }
0x3a: {  	s2 =	simm.s32 $0x1;
	[bflag:$0x0] =	sbarrier.arrive $0xFFFF  }
0x3b: {  	s31 =	simm.s32 $0x2;
	[sflag:s2] =	ssyncpa.u1 $0x1  }
0x3c: {  	[sflag:s31] =	ssyncpa.u1 $0x1  }
0x3d: {  	p0 =	sne.s32 s0, $0x0;
	_ =	strace $0x9000004A  }
0x3e: {  	s0 =	sadd.s32 @!p0 $0x100000, s1;
	[bflag:$0x2] =	sbarrier.arrive $0xFFFF  }
0x3f: {  	[sflag:s0] =	ssyncadd.tile.s32 @!p0 $0x1;
	_ =	shalt  }
.Lfunc_end1:
_tile_overlayer_lowered:
.L_overlay_start_2:
0x40: {  	(tag) =	ssettag $0x2  }
0x41: {  	s0 =	rddreg [dreg:$0x0];
	s2 =	stileid.u32  }
0x42: {  	s1 =	rddreg [dreg:$0x1];
	p0 =	sne.s32 s2, $0x0  }
0x43: {  	s3 =	rddreg [dreg:$0x2];
	[bflag:$0x3] =	sbarrier.arrive $0xFFFF;
	s2 =	simm.s32 @!p0 $0x1C01  }
0x44: {  	[timem:s3], [sflag:s2] =	dma.local @!p0 [hbm:s0], s1  }
0x45: {  	s0 =	simm.s32 @!p0 $0x1  }
0x46: {  	_ =	swait.ge @!p0 [sflag:s0], s1  }
0x47: {  	s1 =	ssub.s32 @!p0 $0x0, s1;
	[sflag:s0] =	ssyncset.done @!p0 $0x0  }
0x48: {  	[sflag:s0] =	ssyncadd.s32 @!p0 s1  }
0x49: {  	[bflag:$0x3] =	sbarrier.arrive $0xFFFF  }
0x4a: {  	_ =	shalt  }

</sc_bundles>
